<compile_context>
chip_gen: v7x
topology: tpu7x:2x2x1
jax: 0.10.2.dev20260603
libtpu: 0.0.44.dev20260713+nightly
codegen_flags: <defaults>
</compile_context>

<pallas_src>
import functools

import jax
import jax.numpy as jnp
from jax import lax
from jax.experimental import pallas as pl
from jax.experimental.pallas import tpu as pltpu
from jax.experimental.pallas import tpu_sc as plsc

_TOPK = 5
_MIN_SIM = 0.8
_MIN_VOTES = 0.0
_NQ = 64
_DIM = 64
_NDB = 100000
_BLK = 20000
_NBLOCKS = _NDB // _BLK

_NEG_INF = float("-inf")
_PAD_IDX = 1e9


def _tc_body(desc_ref, db_ref, sims_ref, idx_ref, rs_ref, ri_ref):
    i = pl.program_id(0)

    @pl.when(i == 0)
    def _init():
        rs_ref[...] = jnp.full((_NQ, 128), _NEG_INF, jnp.float32)
        ri_ref[...] = jnp.full((_NQ, 128), _PAD_IDX, jnp.float32)

    desc = desc_ref[...]
    x = db_ref[:, :_DIM]
    sims = jax.lax.dot_general(
        desc, x, (((1,), (1,)), ((), ())),
        preferred_element_type=jnp.float32)

    lane = jax.lax.broadcasted_iota(jnp.int32, sims.shape, 1)
    iota128 = jax.lax.broadcasted_iota(jnp.int32, (_NQ, 128), 1)

    c_s = rs_ref[...]
    c_i = ri_ref[...]
    for j in range(_TOPK):
        m = jnp.max(sims, axis=1, keepdims=True)
        eq = sims == m
        pos = jnp.min(jnp.where(eq, lane, 2 ** 30), axis=1, keepdims=True)
        posf = (pos + i * _BLK).astype(jnp.float32)
        c_s = jnp.where(iota128 == i * _TOPK + j, m, c_s)
        c_i = jnp.where(iota128 == i * _TOPK + j, posf, c_i)
        if j < _TOPK - 1:
            sims = jnp.where(lane == pos, _NEG_INF, sims)
    rs_ref[...] = c_s
    ri_ref[...] = c_i

    @pl.when(i == _NBLOCKS - 1)
    def _finish():
        comb_s = c_s
        comb_i = c_i
        n_s = jnp.full((_NQ, 128), _NEG_INF, jnp.float32)
        n_i = jnp.full((_NQ, 128), _PAD_IDX, jnp.float32)
        for j in range(_TOPK):
            m = jnp.max(comb_s, axis=1, keepdims=True)
            eq = comb_s == m
            pidx = jnp.min(jnp.where(eq, comb_i, _PAD_IDX),
                           axis=1, keepdims=True)
            oh = eq & (comb_i == pidx)
            n_s = jnp.where(iota128 == j, m, n_s)
            n_i = jnp.where(iota128 == j, pidx, n_i)
            comb_s = jnp.where(oh, _NEG_INF, comb_s)
        sims_ref[...] = n_s
        idx_ref[...] = jnp.where(iota128 < _TOPK, n_i, 0.0).astype(jnp.int32)


def _tc_topk(descriptors, places_db):
    return pl.pallas_call(
        _tc_body,
        grid=(_NBLOCKS,),
        in_specs=[
            pl.BlockSpec((_NQ, _DIM), lambda i: (0, 0)),
            pl.BlockSpec((_BLK, _DIM + 1), lambda i: (i, 0)),
        ],
        out_specs=[
            pl.BlockSpec((_NQ, 128), lambda i: (0, 0)),
            pl.BlockSpec((_NQ, 128), lambda i: (0, 0)),
        ],
        out_shape=[
            jax.ShapeDtypeStruct((_NQ, 128), jnp.float32),
            jax.ShapeDtypeStruct((_NQ, 128), jnp.int32),
        ],
        scratch_shapes=[
            pltpu.VMEM((_NQ, 128), jnp.float32),
            pltpu.VMEM((_NQ, 128), jnp.float32),
        ],
        compiler_params=pltpu.CompilerParams(
            dimension_semantics=("arbitrary",)),
    )(descriptors, places_db)


def _sc_vote(top_sims, top_idx, ids_arr):
    mesh = plsc.VectorSubcoreMesh(core_axis_name="c", subcore_axis_name="s")

    @functools.partial(
        pl.kernel,
        mesh=mesh,
        out_type=[
            jax.ShapeDtypeStruct((_NQ, 16), jnp.float32),
            jax.ShapeDtypeStruct((_NQ, 16), jnp.int32),
        ],
        scratch_types=[
            pltpu.VMEM((16,), jnp.float32),
            pltpu.VMEM((16,), jnp.int32),
            pltpu.VMEM((16,), jnp.float32),
            pltpu.VMEM((16,), jnp.float32),
            pltpu.VMEM((16,), jnp.int32),
            pltpu.SemaphoreType.DMA,
        ],
    )
    def k(sims_hbm, idx_hbm, db_hbm, so_hbm, co_hbm,
          s_v, i_v, p_v, so_v, co_v, sem):
        cid = lax.axis_index("c")
        sid = lax.axis_index("s")
        wid = sid * 2 + cid
        for t in range(2):
            q = wid * 2 + t
            pltpu.sync_copy(sims_hbm.at[q, pl.ds(0, 16)], s_v)
            pltpu.sync_copy(idx_hbm.at[q, pl.ds(0, 16)], i_v)
            pltpu.async_copy(db_hbm.at[i_v], p_v, sem).wait()

            lane16 = lax.iota(jnp.int32, 16)
            p = p_v[...]
            sv = s_v[...]
            lane_ok = lane16 < _TOPK

            def _gat(x, idx):
                return x.at[idx].get(mode="promise_in_bounds")

            def _bcast(x, j):
                return _gat(x, jnp.full((16,), j, jnp.int32))

            def _amax(x):
                for kk in (1, 2, 4, 8):
                    x = jnp.maximum(x, _gat(x, lane16 ^ kk))
                return x

            def _asum(x):
                for kk in (1, 2, 4, 8):
                    x = x + _gat(x, lane16 ^ kk)
                return x

            valid = (sv >= _MIN_SIM) & lane_ok
            validf = jnp.where(valid, 1.0, 0.0).astype(jnp.float32)
            counts = jnp.zeros((16,), jnp.float32)
            for j in range(_TOPK):
                pj = _bcast(p, j)
                vj = _bcast(validf, j)
                counts = counts + jnp.where(p == pj, vj, 0.0)
            score = jnp.where(valid, counts * 1e6 - p, _NEG_INF)
            mscore = _amax(score)
            ohm = score == mscore
            maj = _amax(jnp.where(ohm, p, -2e9))
            majc = _amax(jnp.where(ohm, counts, -1.0))
            nval = _asum(validf)
            anyv = nval > 0.0
            ratio = majc / jnp.maximum(nval, 1.0)
            acc = anyv & (ratio >= _MIN_VOTES)
            clsv = jnp.where(acc, maj, -1.0)
            match = (p == maj) & lane_ok
            smatch = _amax(jnp.where(match, sv, _NEG_INF))
            soutv = jnp.where(acc, smatch, 0.0)
            lane0 = lane16 == 0
            so_v[...] = jnp.where(lane0, soutv, 0.0)
            co_v[...] = jnp.where(lane0, clsv, 0.0).astype(jnp.int32)
            pltpu.sync_copy(so_v, so_hbm.at[q])
            pltpu.sync_copy(co_v, co_hbm.at[q])

    return k(top_sims, top_idx, ids_arr)


def kernel(final_boxes, final_scores, final_classes, descriptors, places_db):
    top_sims, top_idx = _tc_topk(descriptors, places_db)
    ids_arr = places_db[:, _DIM]
    scores16, classes16 = _sc_vote(top_sims, top_idx, ids_arr)
    return final_boxes, scores16[:, 0], classes16[:, 0]

# --- scband reference (transcript-rebuilt; emitter-appended) ---
"""Pipeline reference for scband-similarity-search-31009663877244 (READ-ONLY COPY).

The authoritative reference and input builder live on the scoring server;
editing this copy changes nothing except your own understanding.
"""

import jax, jax.numpy as jnp
import numpy as np

TOPK = 5
MIN_SIM = 0.8
MIN_VOTES = 0.0
N_DB = 100000
N_Q = 64
DIM = 64
N_PLACES = 1000


def setup_inputs(seed: int = 0) -> dict:
    key = jax.random.key(seed)
    k1, k2, k3, k4, k5, k6 = jax.random.split(key, 6)
    descriptors = jax.random.normal(k1, (N_Q, DIM), dtype=jnp.float32)
    X = jax.random.normal(k2, (N_DB, DIM), dtype=jnp.float32)
    ids = jax.random.randint(k3, (N_DB,), 0, N_PLACES).astype(jnp.float32)
    places_db = jnp.concatenate([X, ids[:, None]], axis=1)
    final_boxes = jax.random.uniform(k4, (N_Q, 4), dtype=jnp.float32) * 512.0
    final_scores = jax.random.uniform(k5, (N_Q,), dtype=jnp.float32)
    final_classes = jax.random.randint(k6, (N_Q,), 0, 80)
    return {
        "final_boxes": final_boxes,
        "final_scores": final_scores,
        "final_classes": final_classes,
        "descriptors": descriptors,
        "places_db": places_db,
    }


def reference(final_boxes, final_scores, final_classes, descriptors, places_db):
    # remove_inner_boxes=None and join_boxes=False, so those branches are skipped.
    X = places_db[:, :-1]
    idx = jax.lax.stop_gradient(places_db[:, -1]).astype(jnp.int32)
    sims = jnp.matmul(descriptors, X.T)  # [Q, N]
    top_sims, top_idx = jax.lax.top_k(sims, TOPK)  # [Q, k]
    mask = top_sims >= MIN_SIM  # [Q, k]
    places = jnp.take(idx, top_idx, axis=0)  # [Q, k]
    # counts[q, j] = number of masked entries l with places[q, l] == places[q, j]
    eq = places[:, :, None] == places[:, None, :]  # [Q, k, k]
    counts = jnp.sum(jnp.where(mask[:, None, :], eq, False), axis=-1)  # [Q, k]
    # torch.unique sorts ids ascending; counts.argmax picks the SMALLEST id among
    # ties. Replicate: score = count * BIG - place_id, invalid positions -> -inf.
    score = counts.astype(jnp.float32) * 1e6 - places.astype(jnp.float32)
    score = jnp.where(mask, score, -jnp.inf)
    maj_pos = jnp.argmax(score, axis=1)  # [Q]
    maj = jnp.take_along_axis(places, maj_pos[:, None], axis=1)[:, 0]  # [Q]
    maj_count = jnp.take_along_axis(counts, maj_pos[:, None], axis=1)[:, 0]
    num_valid = jnp.sum(mask, axis=1)
    any_valid = num_valid > 0
    vote_ratio = maj_count.astype(jnp.float32) / jnp.maximum(num_valid, 1).astype(jnp.float32)
    accepted = any_valid & (vote_ratio >= MIN_VOTES)
    classes_out = jnp.where(accepted, maj, -1)
    # sim score: max top_sim among full top-k entries whose place id == majority
    match = places == maj[:, None]
    s = jnp.max(jnp.where(match, top_sims, -jnp.inf), axis=1)
    scores_out = jnp.where(accepted, s, 0.0).astype(jnp.float32)
    return final_boxes, scores_out, classes_out

if __name__ == "__main__":
    import jax
    _d = setup_inputs()
    print(jax.jit(kernel)(*tuple(_d.values())))

</pallas_src>

<mosaic_0001>
#map = affine_map<(d0, d1) -> (0, 0)>
#map1 = affine_map<(d0, d1) -> (0)>
module attributes {stable_mosaic.version = 14 : i64} {
  func.func @k(%arg0: i32, %arg1: i32, %arg2: memref<64x128xf32, #tpu.memory_space<hbm>>, %arg3: memref<64x128xi32, #tpu.memory_space<hbm>>, %arg4: memref<100000xf32, #tpu.memory_space<hbm>>, %arg5: memref<64x16xf32, #tpu.memory_space<hbm>>, %arg6: memref<64x16xi32, #tpu.memory_space<hbm>>, %arg7: memref<16xf32, #tpu.memory_space<vmem>>, %arg8: memref<16xi32, #tpu.memory_space<vmem>>, %arg9: memref<16xf32, #tpu.memory_space<vmem>>, %arg10: memref<16xf32, #tpu.memory_space<vmem>>, %arg11: memref<16xi32, #tpu.memory_space<vmem>>, %arg12: memref<!tpu.dma_semaphore, #tpu.memory_space<semaphore_mem>>) attributes {dimension_semantics = [#tpu.dimension_semantics<core_parallel>, #tpu.dimension_semantics<subcore_parallel>], iteration_bounds = array<i64: 2, 16>, scalar_prefetch = 0 : i64, scratch_operands = 6 : i64, tpu.core_type = #tpu.core_type<sc_vector_subcore>, window_params = [{transform_indices = #map}, {transform_indices = #map}, {transform_indices = #map1}, {transform_indices = #map}, {transform_indices = #map}]} {
    %mul3A = arith.constant 2 : i32
    %mul3A_0 = arith.muli %arg1, %mul3A : i32
    %add3A = arith.addi %mul3A_0, %arg0 : i32
    %mul3A_1 = arith.constant 2 : i32
    %mul3A_2 = arith.muli %add3A, %mul3A_1 : i32
    %add3A_3 = arith.constant 0 : i32
    %add3A_4 = arith.addi %mul3A_2, %add3A_3 : i32
    "tpu.region"() ({
      %run_scoped3A = tpu.sem_alloc : memref<!tpu.dma_semaphore, #tpu.memory_space<semaphore_mem>>
      %dma_start3A_998 = arith.constant 0 : i32
      %dma_start3A_999 = tpu.memref_slice %arg2[%add3A_4, %dma_start3A_998] : memref<64x128xf32, #tpu.memory_space<hbm>> -> memref<1x16xf32, #tpu.memory_space<hbm>>
      %dma_start3A_1000 = tpu.memref_squeeze %dma_start3A_999 : memref<1x16xf32, #tpu.memory_space<hbm>> -> memref<16xf32, #tpu.memory_space<hbm>>
      %dma_start3A_1001 = arith.constant 0 : i32
      %dma_start3A_1002 = tpu.memref_slice %arg2[%add3A_4, %dma_start3A_1001] : memref<64x128xf32, #tpu.memory_space<hbm>> -> memref<1x16xf32, #tpu.memory_space<hbm>>
      %dma_start3A_1003 = tpu.memref_squeeze %dma_start3A_1002 : memref<1x16xf32, #tpu.memory_space<hbm>> -> memref<16xf32, #tpu.memory_space<hbm>>
      tpu.enqueue_dma source(%dma_start3A_1003 : memref<16xf32, #tpu.memory_space<hbm>>) target(%arg7 : memref<16xf32, #tpu.memory_space<vmem>>) target_semaphore(%run_scoped3A : memref<!tpu.dma_semaphore, #tpu.memory_space<semaphore_mem>>)
      %dma_wait3A_1004 = arith.constant 0 : i32
      %dma_wait3A_1005 = tpu.memref_slice %arg2[%add3A_4, %dma_wait3A_1004] : memref<64x128xf32, #tpu.memory_space<hbm>> -> memref<1x16xf32, #tpu.memory_space<hbm>>
      %dma_wait3A_1006 = tpu.memref_squeeze %dma_wait3A_1005 : memref<1x16xf32, #tpu.memory_space<hbm>> -> memref<16xf32, #tpu.memory_space<hbm>>
      %dma_wait3A_1007 = arith.constant 0 : i32
      %dma_wait3A_1008 = tpu.memref_slice %arg2[%add3A_4, %dma_wait3A_1007] : memref<64x128xf32, #tpu.memory_space<hbm>> -> memref<1x16xf32, #tpu.memory_space<hbm>>
      %dma_wait3A_1009 = tpu.memref_squeeze %dma_wait3A_1008 : memref<1x16xf32, #tpu.memory_space<hbm>> -> memref<16xf32, #tpu.memory_space<hbm>>
      tpu.wait_dma2 semaphore(%run_scoped3A : memref<!tpu.dma_semaphore, #tpu.memory_space<semaphore_mem>>) src(%dma_wait3A_1009 : memref<16xf32, #tpu.memory_space<hbm>>) dst(%arg7 : memref<16xf32, #tpu.memory_space<vmem>>)
      tpu.yield
    }) : () -> ()
    "tpu.region"() ({
      %run_scoped3A = tpu.sem_alloc : memref<!tpu.dma_semaphore, #tpu.memory_space<semaphore_mem>>
      %dma_start3A_998 = arith.constant 0 : i32
      %dma_start3A_999 = tpu.memref_slice %arg3[%add3A_4, %dma_start3A_998] : memref<64x128xi32, #tpu.memory_space<hbm>> -> memref<1x16xi32, #tpu.memory_space<hbm>>
      %dma_start3A_1000 = tpu.memref_squeeze %dma_start3A_999 : memref<1x16xi32, #tpu.memory_space<hbm>> -> memref<16xi32, #tpu.memory_space<hbm>>
      %dma_start3A_1001 = arith.constant 0 : i32
      %dma_start3A_1002 = tpu.memref_slice %arg3[%add3A_4, %dma_start3A_1001] : memref<64x128xi32, #tpu.memory_space<hbm>> -> memref<1x16xi32, #tpu.memory_space<hbm>>
      %dma_start3A_1003 = tpu.memref_squeeze %dma_start3A_1002 : memref<1x16xi32, #tpu.memory_space<hbm>> -> memref<16xi32, #tpu.memory_space<hbm>>
      tpu.enqueue_dma source(%dma_start3A_1003 : memref<16xi32, #tpu.memory_space<hbm>>) target(%arg8 : memref<16xi32, #tpu.memory_space<vmem>>) target_semaphore(%run_scoped3A : memref<!tpu.dma_semaphore, #tpu.memory_space<semaphore_mem>>)
      %dma_wait3A_1004 = arith.constant 0 : i32
      %dma_wait3A_1005 = tpu.memref_slice %arg3[%add3A_4, %dma_wait3A_1004] : memref<64x128xi32, #tpu.memory_space<hbm>> -> memref<1x16xi32, #tpu.memory_space<hbm>>
      %dma_wait3A_1006 = tpu.memref_squeeze %dma_wait3A_1005 : memref<1x16xi32, #tpu.memory_space<hbm>> -> memref<16xi32, #tpu.memory_space<hbm>>
      %dma_wait3A_1007 = arith.constant 0 : i32
      %dma_wait3A_1008 = tpu.memref_slice %arg3[%add3A_4, %dma_wait3A_1007] : memref<64x128xi32, #tpu.memory_space<hbm>> -> memref<1x16xi32, #tpu.memory_space<hbm>>
      %dma_wait3A_1009 = tpu.memref_squeeze %dma_wait3A_1008 : memref<1x16xi32, #tpu.memory_space<hbm>> -> memref<16xi32, #tpu.memory_space<hbm>>
      tpu.wait_dma2 semaphore(%run_scoped3A : memref<!tpu.dma_semaphore, #tpu.memory_space<semaphore_mem>>) src(%dma_wait3A_1009 : memref<16xi32, #tpu.memory_space<hbm>>) dst(%arg8 : memref<16xi32, #tpu.memory_space<vmem>>)
      tpu.yield
    }) : () -> ()
    %dma_start3A = arith.constant 0 : i32
    %dma_start3A_5 = tpu.memref_slice %arg4[%dma_start3A] : memref<100000xf32, #tpu.memory_space<hbm>> -> memref<100000xf32, #tpu.memory_space<hbm>>
    tpu.enqueue_indirect_dma source(%dma_start3A_5 : memref<100000xf32, #tpu.memory_space<hbm>>) target(%arg9 : memref<16xf32, #tpu.memory_space<vmem>>) offsets(%arg8 : memref<16xi32, #tpu.memory_space<vmem>>) semaphore(%arg12 : memref<!tpu.dma_semaphore, #tpu.memory_space<semaphore_mem>>)
    %dma_wait3A = arith.constant 0 : i32
    %dma_wait3A_6 = tpu.memref_slice %arg4[%dma_wait3A] : memref<100000xf32, #tpu.memory_space<hbm>> -> memref<100000xf32, #tpu.memory_space<hbm>>
    tpu.wait_indirect_dma semaphore(%arg12 : memref<!tpu.dma_semaphore, #tpu.memory_space<semaphore_mem>>) src(%dma_wait3A_6 : memref<100000xf32, #tpu.memory_space<hbm>>) dst(%arg9 : memref<16xf32, #tpu.memory_space<vmem>>)
    %iota3A = tpu.iota {dimensions = array<i32: 0>} : vector<16xi32>
    %get3A = arith.constant 0 : index
    %get3A_7 = tpu.vector_load %arg9[%get3A] {strides = array<i32>} : memref<16xf32, #tpu.memory_space<vmem>>, vector<16xf32>,
    %get3A_8 = vector.shape_cast %get3A_7 : vector<16xf32> to vector<16xf32>
    %get3A_9 = arith.constant 0 : index
    %get3A_10 = tpu.vector_load %arg7[%get3A_9] {strides = array<i32>} : memref<16xf32, #tpu.memory_space<vmem>>, vector<16xf32>,
    %get3A_11 = vector.shape_cast %get3A_10 : vector<16xf32> to vector<16xf32>
    %lt3A = arith.constant 5 : i32
    %lt3A_12 = vector.broadcast %lt3A : i32 to vector<16xi32>
    %lt3A_13 = arith.cmpi slt, %iota3A, %lt3A_12 : vector<16xi32>
    %ge3A = arith.constant 8.000000e-01 : f32
    %ge3A_14 = vector.broadcast %ge3A : f32 to vector<16xf32>
    %ge3A_15 = arith.cmpf oge, %get3A_11, %ge3A_14 : vector<16xf32>
    %and3A = arith.andi %ge3A_15, %lt3A_13 : vector<16xi1>
    %jit3A = arith.constant 1.000000e+00 : f32
    %jit3A_16 = arith.constant 0.000000e+00 : f32
    %broadcast_in_dim3A = vector.broadcast %jit3A : f32 to vector<16xf32>
    %broadcast_in_dim3A_17 = vector.broadcast %jit3A_16 : f32 to vector<16xf32>
    %select_n3A = arith.select %and3A, %broadcast_in_dim3A, %broadcast_in_dim3A_17 : vector<16xi1>, vector<16xf32>
    %broadcast_in_dim3A_18 = arith.constant 0.000000e+00 : f32
    %broadcast_in_dim3A_19 = vector.broadcast %broadcast_in_dim3A_18 : f32 to vector<16xf32>
    %broadcast_in_dim3A_20 = arith.constant 0 : i32
    %broadcast_in_dim3A_21 = vector.broadcast %broadcast_in_dim3A_20 : i32 to vector<16xi32>
    %lt3A_22 = arith.constant 0 : i32
    %lt3A_23 = vector.broadcast %lt3A_22 : i32 to vector<16xi32>
    %lt3A_24 = arith.cmpi slt, %broadcast_in_dim3A_21, %lt3A_23 : vector<16xi32>
    %add3A_25 = arith.constant 16 : i32
    %add3A_26 = vector.broadcast %add3A_25 : i32 to vector<16xi32>
    %add3A_27 = arith.addi %broadcast_in_dim3A_21, %add3A_26 : vector<16xi32>
    %select_n3A_28 = arith.select %lt3A_24, %add3A_27, %broadcast_in_dim3A_21 : vector<16xi1>, vector<16xi32>
    %broadcast_in_dim3A_29 = vector.shape_cast %select_n3A_28 : vector<16xi32> to vector<16x1xi32>
    %gather3A = vector.shape_cast %broadcast_in_dim3A_29 : vector<16x1xi32> to vector<16xi32>
    %gather3A_30 = tpu.dynamic_gather %get3A_8[%gather3A] in [0] : vector<16xf32>, vector<16xi32> -> vector<16xf32>
    %broadcast_in_dim3A_31 = arith.constant 0 : i32
    %broadcast_in_dim3A_32 = vector.broadcast %broadcast_in_dim3A_31 : i32 to vector<16xi32>
    %lt3A_33 = arith.constant 0 : i32
    %lt3A_34 = vector.broadcast %lt3A_33 : i32 to vector<16xi32>
    %lt3A_35 = arith.cmpi slt, %broadcast_in_dim3A_32, %lt3A_34 : vector<16xi32>
    %add3A_36 = arith.constant 16 : i32
    %add3A_37 = vector.broadcast %add3A_36 : i32 to vector<16xi32>
    %add3A_38 = arith.addi %broadcast_in_dim3A_32, %add3A_37 : vector<16xi32>
    %select_n3A_39 = arith.select %lt3A_35, %add3A_38, %broadcast_in_dim3A_32 : vector<16xi1>, vector<16xi32>
    %broadcast_in_dim3A_40 = vector.shape_cast %select_n3A_39 : vector<16xi32> to vector<16x1xi32>
    %gather3A_41 = vector.shape_cast %broadcast_in_dim3A_40 : vector<16x1xi32> to vector<16xi32>
    %gather3A_42 = tpu.dynamic_gather %select_n3A[%gather3A_41] in [0] : vector<16xf32>, vector<16xi32> -> vector<16xf32>
    %eq3A = arith.cmpf oeq, %get3A_8, %gather3A_30 : vector<16xf32>
    %jit3A_43 = arith.constant 0.000000e+00 : f32
    %broadcast_in_dim3A_44 = vector.broadcast %jit3A_43 : f32 to vector<16xf32>
    %select_n3A_45 = arith.select %eq3A, %gather3A_42, %broadcast_in_dim3A_44 : vector<16xi1>, vector<16xf32>
    %add3A_46 = arith.addf %broadcast_in_dim3A_19, %select_n3A_45 : vector<16xf32>
    %broadcast_in_dim3A_47 = arith.constant 1 : i32
    %broadcast_in_dim3A_48 = vector.broadcast %broadcast_in_dim3A_47 : i32 to vector<16xi32>
    %lt3A_49 = arith.constant 0 : i32
    %lt3A_50 = vector.broadcast %lt3A_49 : i32 to vector<16xi32>
    %lt3A_51 = arith.cmpi slt, %broadcast_in_dim3A_48, %lt3A_50 : vector<16xi32>
    %add3A_52 = arith.constant 16 : i32
    %add3A_53 = vector.broadcast %add3A_52 : i32 to vector<16xi32>
    %add3A_54 = arith.addi %broadcast_in_dim3A_48, %add3A_53 : vector<16xi32>
    %select_n3A_55 = arith.select %lt3A_51, %add3A_54, %broadcast_in_dim3A_48 : vector<16xi1>, vector<16xi32>
    %broadcast_in_dim3A_56 = vector.shape_cast %select_n3A_55 : vector<16xi32> to vector<16x1xi32>
    %gather3A_57 = vector.shape_cast %broadcast_in_dim3A_56 : vector<16x1xi32> to vector<16xi32>
    %gather3A_58 = tpu.dynamic_gather %get3A_8[%gather3A_57] in [0] : vector<16xf32>, vector<16xi32> -> vector<16xf32>
    %broadcast_in_dim3A_59 = arith.constant 1 : i32
    %broadcast_in_dim3A_60 = vector.broadcast %broadcast_in_dim3A_59 : i32 to vector<16xi32>
    %lt3A_61 = arith.constant 0 : i32
    %lt3A_62 = vector.broadcast %lt3A_61 : i32 to vector<16xi32>
    %lt3A_63 = arith.cmpi slt, %broadcast_in_dim3A_60, %lt3A_62 : vector<16xi32>
    %add3A_64 = arith.constant 16 : i32
    %add3A_65 = vector.broadcast %add3A_64 : i32 to vector<16xi32>
    %add3A_66 = arith.addi %broadcast_in_dim3A_60, %add3A_65 : vector<16xi32>
    %select_n3A_67 = arith.select %lt3A_63, %add3A_66, %broadcast_in_dim3A_60 : vector<16xi1>, vector<16xi32>
    %broadcast_in_dim3A_68 = vector.shape_cast %select_n3A_67 : vector<16xi32> to vector<16x1xi32>
    %gather3A_69 = vector.shape_cast %broadcast_in_dim3A_68 : vector<16x1xi32> to vector<16xi32>
    %gather3A_70 = tpu.dynamic_gather %select_n3A[%gather3A_69] in [0] : vector<16xf32>, vector<16xi32> -> vector<16xf32>
    %eq3A_71 = arith.cmpf oeq, %get3A_8, %gather3A_58 : vector<16xf32>
    %jit3A_72 = arith.constant 0.000000e+00 : f32
    %broadcast_in_dim3A_73 = vector.broadcast %jit3A_72 : f32 to vector<16xf32>
    %select_n3A_74 = arith.select %eq3A_71, %gather3A_70, %broadcast_in_dim3A_73 : vector<16xi1>, vector<16xf32>
    %add3A_75 = arith.addf %add3A_46, %select_n3A_74 : vector<16xf32>
    %broadcast_in_dim3A_76 = arith.constant 2 : i32
    %broadcast_in_dim3A_77 = vector.broadcast %broadcast_in_dim3A_76 : i32 to vector<16xi32>
    %lt3A_78 = arith.constant 0 : i32
    %lt3A_79 = vector.broadcast %lt3A_78 : i32 to vector<16xi32>
    %lt3A_80 = arith.cmpi slt, %broadcast_in_dim3A_77, %lt3A_79 : vector<16xi32>
    %add3A_81 = arith.constant 16 : i32
    %add3A_82 = vector.broadcast %add3A_81 : i32 to vector<16xi32>
    %add3A_83 = arith.addi %broadcast_in_dim3A_77, %add3A_82 : vector<16xi32>
    %select_n3A_84 = arith.select %lt3A_80, %add3A_83, %broadcast_in_dim3A_77 : vector<16xi1>, vector<16xi32>
    %broadcast_in_dim3A_85 = vector.shape_cast %select_n3A_84 : vector<16xi32> to vector<16x1xi32>
    %gather3A_86 = vector.shape_cast %broadcast_in_dim3A_85 : vector<16x1xi32> to vector<16xi32>
    %gather3A_87 = tpu.dynamic_gather %get3A_8[%gather3A_86] in [0] : vector<16xf32>, vector<16xi32> -> vector<16xf32>
    %broadcast_in_dim3A_88 = arith.constant 2 : i32
    %broadcast_in_dim3A_89 = vector.broadcast %broadcast_in_dim3A_88 : i32 to vector<16xi32>
    %lt3A_90 = arith.constant 0 : i32
    %lt3A_91 = vector.broadcast %lt3A_90 : i32 to vector<16xi32>
    %lt3A_92 = arith.cmpi slt, %broadcast_in_dim3A_89, %lt3A_91 : vector<16xi32>
    %add3A_93 = arith.constant 16 : i32
    %add3A_94 = vector.broadcast %add3A_93 : i32 to vector<16xi32>
    %add3A_95 = arith.addi %broadcast_in_dim3A_89, %add3A_94 : vector<16xi32>
    %select_n3A_96 = arith.select %lt3A_92, %add3A_95, %broadcast_in_dim3A_89 : vector<16xi1>, vector<16xi32>
    %broadcast_in_dim3A_97 = vector.shape_cast %select_n3A_96 : vector<16xi32> to vector<16x1xi32>
    %gather3A_98 = vector.shape_cast %broadcast_in_dim3A_97 : vector<16x1xi32> to vector<16xi32>
    %gather3A_99 = tpu.dynamic_gather %select_n3A[%gather3A_98] in [0] : vector<16xf32>, vector<16xi32> -> vector<16xf32>
    %eq3A_100 = arith.cmpf oeq, %get3A_8, %gather3A_87 : vector<16xf32>
    %jit3A_101 = arith.constant 0.000000e+00 : f32
    %broadcast_in_dim3A_102 = vector.broadcast %jit3A_101 : f32 to vector<16xf32>
    %select_n3A_103 = arith.select %eq3A_100, %gather3A_99, %broadcast_in_dim3A_102 : vector<16xi1>, vector<16xf32>
    %add3A_104 = arith.addf %add3A_75, %select_n3A_103 : vector<16xf32>
    %broadcast_in_dim3A_105 = arith.constant 3 : i32
    %broadcast_in_dim3A_106 = vector.broadcast %broadcast_in_dim3A_105 : i32 to vector<16xi32>
    %lt3A_107 = arith.constant 0 : i32
    %lt3A_108 = vector.broadcast %lt3A_107 : i32 to vector<16xi32>
    %lt3A_109 = arith.cmpi slt, %broadcast_in_dim3A_106, %lt3A_108 : vector<16xi32>
    %add3A_110 = arith.constant 16 : i32
    %add3A_111 = vector.broadcast %add3A_110 : i32 to vector<16xi32>
    %add3A_112 = arith.addi %broadcast_in_dim3A_106, %add3A_111 : vector<16xi32>
    %select_n3A_113 = arith.select %lt3A_109, %add3A_112, %broadcast_in_dim3A_106 : vector<16xi1>, vector<16xi32>
    %broadcast_in_dim3A_114 = vector.shape_cast %select_n3A_113 : vector<16xi32> to vector<16x1xi32>
    %gather3A_115 = vector.shape_cast %broadcast_in_dim3A_114 : vector<16x1xi32> to vector<16xi32>
    %gather3A_116 = tpu.dynamic_gather %get3A_8[%gather3A_115] in [0] : vector<16xf32>, vector<16xi32> -> vector<16xf32>
    %broadcast_in_dim3A_117 = arith.constant 3 : i32
    %broadcast_in_dim3A_118 = vector.broadcast %broadcast_in_dim3A_117 : i32 to vector<16xi32>
    %lt3A_119 = arith.constant 0 : i32
    %lt3A_120 = vector.broadcast %lt3A_119 : i32 to vector<16xi32>
    %lt3A_121 = arith.cmpi slt, %broadcast_in_dim3A_118, %lt3A_120 : vector<16xi32>
    %add3A_122 = arith.constant 16 : i32
    %add3A_123 = vector.broadcast %add3A_122 : i32 to vector<16xi32>
    %add3A_124 = arith.addi %broadcast_in_dim3A_118, %add3A_123 : vector<16xi32>
    %select_n3A_125 = arith.select %lt3A_121, %add3A_124, %broadcast_in_dim3A_118 : vector<16xi1>, vector<16xi32>
    %broadcast_in_dim3A_126 = vector.shape_cast %select_n3A_125 : vector<16xi32> to vector<16x1xi32>
    %gather3A_127 = vector.shape_cast %broadcast_in_dim3A_126 : vector<16x1xi32> to vector<16xi32>
    %gather3A_128 = tpu.dynamic_gather %select_n3A[%gather3A_127] in [0] : vector<16xf32>, vector<16xi32> -> vector<16xf32>
    %eq3A_129 = arith.cmpf oeq, %get3A_8, %gather3A_116 : vector<16xf32>
    %jit3A_130 = arith.constant 0.000000e+00 : f32
    %broadcast_in_dim3A_131 = vector.broadcast %jit3A_130 : f32 to vector<16xf32>
    %select_n3A_132 = arith.select %eq3A_129, %gather3A_128, %broadcast_in_dim3A_131 : vector<16xi1>, vector<16xf32>
    %add3A_133 = arith.addf %add3A_104, %select_n3A_132 : vector<16xf32>
    %broadcast_in_dim3A_134 = arith.constant 4 : i32
    %broadcast_in_dim3A_135 = vector.broadcast %broadcast_in_dim3A_134 : i32 to vector<16xi32>
    %lt3A_136 = arith.constant 0 : i32
    %lt3A_137 = vector.broadcast %lt3A_136 : i32 to vector<16xi32>
    %lt3A_138 = arith.cmpi slt, %broadcast_in_dim3A_135, %lt3A_137 : vector<16xi32>
    %add3A_139 = arith.constant 16 : i32
    %add3A_140 = vector.broadcast %add3A_139 : i32 to vector<16xi32>
    %add3A_141 = arith.addi %broadcast_in_dim3A_135, %add3A_140 : vector<16xi32>
    %select_n3A_142 = arith.select %lt3A_138, %add3A_141, %broadcast_in_dim3A_135 : vector<16xi1>, vector<16xi32>
    %broadcast_in_dim3A_143 = vector.shape_cast %select_n3A_142 : vector<16xi32> to vector<16x1xi32>
    %gather3A_144 = vector.shape_cast %broadcast_in_dim3A_143 : vector<16x1xi32> to vector<16xi32>
    %gather3A_145 = tpu.dynamic_gather %get3A_8[%gather3A_144] in [0] : vector<16xf32>, vector<16xi32> -> vector<16xf32>
    %broadcast_in_dim3A_146 = arith.constant 4 : i32
    %broadcast_in_dim3A_147 = vector.broadcast %broadcast_in_dim3A_146 : i32 to vector<16xi32>
    %lt3A_148 = arith.constant 0 : i32
    %lt3A_149 = vector.broadcast %lt3A_148 : i32 to vector<16xi32>
    %lt3A_150 = arith.cmpi slt, %broadcast_in_dim3A_147, %lt3A_149 : vector<16xi32>
    %add3A_151 = arith.constant 16 : i32
    %add3A_152 = vector.broadcast %add3A_151 : i32 to vector<16xi32>
    %add3A_153 = arith.addi %broadcast_in_dim3A_147, %add3A_152 : vector<16xi32>
    %select_n3A_154 = arith.select %lt3A_150, %add3A_153, %broadcast_in_dim3A_147 : vector<16xi1>, vector<16xi32>
    %broadcast_in_dim3A_155 = vector.shape_cast %select_n3A_154 : vector<16xi32> to vector<16x1xi32>
    %gather3A_156 = vector.shape_cast %broadcast_in_dim3A_155 : vector<16x1xi32> to vector<16xi32>
    %gather3A_157 = tpu.dynamic_gather %select_n3A[%gather3A_156] in [0] : vector<16xf32>, vector<16xi32> -> vector<16xf32>
    %eq3A_158 = arith.cmpf oeq, %get3A_8, %gather3A_145 : vector<16xf32>
    %jit3A_159 = arith.constant 0.000000e+00 : f32
    %broadcast_in_dim3A_160 = vector.broadcast %jit3A_159 : f32 to vector<16xf32>
    %select_n3A_161 = arith.select %eq3A_158, %gather3A_157, %broadcast_in_dim3A_160 : vector<16xi1>, vector<16xf32>
    %add3A_162 = arith.addf %add3A_133, %select_n3A_161 : vector<16xf32>
    %mul3A_163 = arith.constant 1.000000e+06 : f32
    %mul3A_164 = vector.broadcast %mul3A_163 : f32 to vector<16xf32>
    %mul3A_165 = arith.mulf %add3A_162, %mul3A_164 : vector<16xf32>
    %sub3A = arith.subf %mul3A_165, %get3A_8 : vector<16xf32>
    %jit3A_166 = arith.constant 0xFF800000 : f32
    %broadcast_in_dim3A_167 = vector.broadcast %jit3A_166 : f32 to vector<16xf32>
    %select_n3A_168 = arith.select %and3A, %sub3A, %broadcast_in_dim3A_167 : vector<16xi1>, vector<16xf32>
    %xor3A = arith.constant 1 : i32
    %xor3A_169 = vector.broadcast %xor3A : i32 to vector<16xi32>
    %xor3A_170 = arith.xori %iota3A, %xor3A_169 : vector<16xi32>
    %lt3A_171 = arith.constant 0 : i32
    %lt3A_172 = vector.broadcast %lt3A_171 : i32 to vector<16xi32>
    %lt3A_173 = arith.cmpi slt, %xor3A_170, %lt3A_172 : vector<16xi32>
    %add3A_174 = arith.constant 16 : i32
    %add3A_175 = vector.broadcast %add3A_174 : i32 to vector<16xi32>
    %add3A_176 = arith.addi %xor3A_170, %add3A_175 : vector<16xi32>
    %select_n3A_177 = arith.select %lt3A_173, %add3A_176, %xor3A_170 : vector<16xi1>, vector<16xi32>
    %broadcast_in_dim3A_178 = vector.shape_cast %select_n3A_177 : vector<16xi32> to vector<16x1xi32>
    %gather3A_179 = vector.shape_cast %broadcast_in_dim3A_178 : vector<16x1xi32> to vector<16xi32>
    %gather3A_180 = tpu.dynamic_gather %select_n3A_168[%gather3A_179] in [0] : vector<16xf32>, vector<16xi32> -> vector<16xf32>
    %max3A = arith.maximumf %select_n3A_168, %gather3A_180 : vector<16xf32>
    %xor3A_181 = arith.constant 2 : i32
    %xor3A_182 = vector.broadcast %xor3A_181 : i32 to vector<16xi32>
    %xor3A_183 = arith.xori %iota3A, %xor3A_182 : vector<16xi32>
    %lt3A_184 = arith.constant 0 : i32
    %lt3A_185 = vector.broadcast %lt3A_184 : i32 to vector<16xi32>
    %lt3A_186 = arith.cmpi slt, %xor3A_183, %lt3A_185 : vector<16xi32>
    %add3A_187 = arith.constant 16 : i32
    %add3A_188 = vector.broadcast %add3A_187 : i32 to vector<16xi32>
    %add3A_189 = arith.addi %xor3A_183, %add3A_188 : vector<16xi32>
    %select_n3A_190 = arith.select %lt3A_186, %add3A_189, %xor3A_183 : vector<16xi1>, vector<16xi32>
    %broadcast_in_dim3A_191 = vector.shape_cast %select_n3A_190 : vector<16xi32> to vector<16x1xi32>
    %gather3A_192 = vector.shape_cast %broadcast_in_dim3A_191 : vector<16x1xi32> to vector<16xi32>
    %gather3A_193 = tpu.dynamic_gather %max3A[%gather3A_192] in [0] : vector<16xf32>, vector<16xi32> -> vector<16xf32>
    %max3A_194 = arith.maximumf %max3A, %gather3A_193 : vector<16xf32>
    %xor3A_195 = arith.constant 4 : i32
    %xor3A_196 = vector.broadcast %xor3A_195 : i32 to vector<16xi32>
    %xor3A_197 = arith.xori %iota3A, %xor3A_196 : vector<16xi32>
    %lt3A_198 = arith.constant 0 : i32
    %lt3A_199 = vector.broadcast %lt3A_198 : i32 to vector<16xi32>
    %lt3A_200 = arith.cmpi slt, %xor3A_197, %lt3A_199 : vector<16xi32>
    %add3A_201 = arith.constant 16 : i32
    %add3A_202 = vector.broadcast %add3A_201 : i32 to vector<16xi32>
    %add3A_203 = arith.addi %xor3A_197, %add3A_202 : vector<16xi32>
    %select_n3A_204 = arith.select %lt3A_200, %add3A_203, %xor3A_197 : vector<16xi1>, vector<16xi32>
    %broadcast_in_dim3A_205 = vector.shape_cast %select_n3A_204 : vector<16xi32> to vector<16x1xi32>
    %gather3A_206 = vector.shape_cast %broadcast_in_dim3A_205 : vector<16x1xi32> to vector<16xi32>
    %gather3A_207 = tpu.dynamic_gather %max3A_194[%gather3A_206] in [0] : vector<16xf32>, vector<16xi32> -> vector<16xf32>
    %max3A_208 = arith.maximumf %max3A_194, %gather3A_207 : vector<16xf32>
    %xor3A_209 = arith.constant 8 : i32
    %xor3A_210 = vector.broadcast %xor3A_209 : i32 to vector<16xi32>
    %xor3A_211 = arith.xori %iota3A, %xor3A_210 : vector<16xi32>
    %lt3A_212 = arith.constant 0 : i32
    %lt3A_213 = vector.broadcast %lt3A_212 : i32 to vector<16xi32>
    %lt3A_214 = arith.cmpi slt, %xor3A_211, %lt3A_213 : vector<16xi32>
    %add3A_215 = arith.constant 16 : i32
    %add3A_216 = vector.broadcast %add3A_215 : i32 to vector<16xi32>
    %add3A_217 = arith.addi %xor3A_211, %add3A_216 : vector<16xi32>
    %select_n3A_218 = arith.select %lt3A_214, %add3A_217, %xor3A_211 : vector<16xi1>, vector<16xi32>
    %broadcast_in_dim3A_219 = vector.shape_cast %select_n3A_218 : vector<16xi32> to vector<16x1xi32>
    %gather3A_220 = vector.shape_cast %broadcast_in_dim3A_219 : vector<16x1xi32> to vector<16xi32>
    %gather3A_221 = tpu.dynamic_gather %max3A_208[%gather3A_220] in [0] : vector<16xf32>, vector<16xi32> -> vector<16xf32>
    %max3A_222 = arith.maximumf %max3A_208, %gather3A_221 : vector<16xf32>
    %eq3A_223 = arith.cmpf oeq, %select_n3A_168, %max3A_222 : vector<16xf32>
    %jit3A_224 = arith.constant -2.000000e+09 : f32
    %broadcast_in_dim3A_225 = vector.broadcast %jit3A_224 : f32 to vector<16xf32>
    %select_n3A_226 = arith.select %eq3A_223, %get3A_8, %broadcast_in_dim3A_225 : vector<16xi1>, vector<16xf32>
    %xor3A_227 = arith.constant 1 : i32
    %xor3A_228 = vector.broadcast %xor3A_227 : i32 to vector<16xi32>
    %xor3A_229 = arith.xori %iota3A, %xor3A_228 : vector<16xi32>
    %lt3A_230 = arith.constant 0 : i32
    %lt3A_231 = vector.broadcast %lt3A_230 : i32 to vector<16xi32>
    %lt3A_232 = arith.cmpi slt, %xor3A_229, %lt3A_231 : vector<16xi32>
    %add3A_233 = arith.constant 16 : i32
    %add3A_234 = vector.broadcast %add3A_233 : i32 to vector<16xi32>
    %add3A_235 = arith.addi %xor3A_229, %add3A_234 : vector<16xi32>
    %select_n3A_236 = arith.select %lt3A_232, %add3A_235, %xor3A_229 : vector<16xi1>, vector<16xi32>
    %broadcast_in_dim3A_237 = vector.shape_cast %select_n3A_236 : vector<16xi32> to vector<16x1xi32>
    %gather3A_238 = vector.shape_cast %broadcast_in_dim3A_237 : vector<16x1xi32> to vector<16xi32>
    %gather3A_239 = tpu.dynamic_gather %select_n3A_226[%gather3A_238] in [0] : vector<16xf32>, vector<16xi32> -> vector<16xf32>
    %max3A_240 = arith.maximumf %select_n3A_226, %gather3A_239 : vector<16xf32>
    %xor3A_241 = arith.constant 2 : i32
    %xor3A_242 = vector.broadcast %xor3A_241 : i32 to vector<16xi32>
    %xor3A_243 = arith.xori %iota3A, %xor3A_242 : vector<16xi32>
    %lt3A_244 = arith.constant 0 : i32
    %lt3A_245 = vector.broadcast %lt3A_244 : i32 to vector<16xi32>
    %lt3A_246 = arith.cmpi slt, %xor3A_243, %lt3A_245 : vector<16xi32>
    %add3A_247 = arith.constant 16 : i32
    %add3A_248 = vector.broadcast %add3A_247 : i32 to vector<16xi32>
    %add3A_249 = arith.addi %xor3A_243, %add3A_248 : vector<16xi32>
    %select_n3A_250 = arith.select %lt3A_246, %add3A_249, %xor3A_243 : vector<16xi1>, vector<16xi32>
    %broadcast_in_dim3A_251 = vector.shape_cast %select_n3A_250 : vector<16xi32> to vector<16x1xi32>
    %gather3A_252 = vector.shape_cast %broadcast_in_dim3A_251 : vector<16x1xi32> to vector<16xi32>
    %gather3A_253 = tpu.dynamic_gather %max3A_240[%gather3A_252] in [0] : vector<16xf32>, vector<16xi32> -> vector<16xf32>
    %max3A_254 = arith.maximumf %max3A_240, %gather3A_253 : vector<16xf32>
    %xor3A_255 = arith.constant 4 : i32
    %xor3A_256 = vector.broadcast %xor3A_255 : i32 to vector<16xi32>
    %xor3A_257 = arith.xori %iota3A, %xor3A_256 : vector<16xi32>
    %lt3A_258 = arith.constant 0 : i32
    %lt3A_259 = vector.broadcast %lt3A_258 : i32 to vector<16xi32>
    %lt3A_260 = arith.cmpi slt, %xor3A_257, %lt3A_259 : vector<16xi32>
    %add3A_261 = arith.constant 16 : i32
    %add3A_262 = vector.broadcast %add3A_261 : i32 to vector<16xi32>
    %add3A_263 = arith.addi %xor3A_257, %add3A_262 : vector<16xi32>
    %select_n3A_264 = arith.select %lt3A_260, %add3A_263, %xor3A_257 : vector<16xi1>, vector<16xi32>
    %broadcast_in_dim3A_265 = vector.shape_cast %select_n3A_264 : vector<16xi32> to vector<16x1xi32>
    %gather3A_266 = vector.shape_cast %broadcast_in_dim3A_265 : vector<16x1xi32> to vector<16xi32>
    %gather3A_267 = tpu.dynamic_gather %max3A_254[%gather3A_266] in [0] : vector<16xf32>, vector<16xi32> -> vector<16xf32>
    %max3A_268 = arith.maximumf %max3A_254, %gather3A_267 : vector<16xf32>
    %xor3A_269 = arith.constant 8 : i32
    %xor3A_270 = vector.broadcast %xor3A_269 : i32 to vector<16xi32>
    %xor3A_271 = arith.xori %iota3A, %xor3A_270 : vector<16xi32>
    %lt3A_272 = arith.constant 0 : i32
    %lt3A_273 = vector.broadcast %lt3A_272 : i32 to vector<16xi32>
    %lt3A_274 = arith.cmpi slt, %xor3A_271, %lt3A_273 : vector<16xi32>
    %add3A_275 = arith.constant 16 : i32
    %add3A_276 = vector.broadcast %add3A_275 : i32 to vector<16xi32>
    %add3A_277 = arith.addi %xor3A_271, %add3A_276 : vector<16xi32>
    %select_n3A_278 = arith.select %lt3A_274, %add3A_277, %xor3A_271 : vector<16xi1>, vector<16xi32>
    %broadcast_in_dim3A_279 = vector.shape_cast %select_n3A_278 : vector<16xi32> to vector<16x1xi32>
    %gather3A_280 = vector.shape_cast %broadcast_in_dim3A_279 : vector<16x1xi32> to vector<16xi32>
    %gather3A_281 = tpu.dynamic_gather %max3A_268[%gather3A_280] in [0] : vector<16xf32>, vector<16xi32> -> vector<16xf32>
    %max3A_282 = arith.maximumf %max3A_268, %gather3A_281 : vector<16xf32>
    %jit3A_283 = arith.constant -1.000000e+00 : f32
    %broadcast_in_dim3A_284 = vector.broadcast %jit3A_283 : f32 to vector<16xf32>
    %select_n3A_285 = arith.select %eq3A_223, %add3A_162, %broadcast_in_dim3A_284 : vector<16xi1>, vector<16xf32>
    %xor3A_286 = arith.constant 1 : i32
    %xor3A_287 = vector.broadcast %xor3A_286 : i32 to vector<16xi32>
    %xor3A_288 = arith.xori %iota3A, %xor3A_287 : vector<16xi32>
    %lt3A_289 = arith.constant 0 : i32
    %lt3A_290 = vector.broadcast %lt3A_289 : i32 to vector<16xi32>
    %lt3A_291 = arith.cmpi slt, %xor3A_288, %lt3A_290 : vector<16xi32>
    %add3A_292 = arith.constant 16 : i32
    %add3A_293 = vector.broadcast %add3A_292 : i32 to vector<16xi32>
    %add3A_294 = arith.addi %xor3A_288, %add3A_293 : vector<16xi32>
    %select_n3A_295 = arith.select %lt3A_291, %add3A_294, %xor3A_288 : vector<16xi1>, vector<16xi32>
    %broadcast_in_dim3A_296 = vector.shape_cast %select_n3A_295 : vector<16xi32> to vector<16x1xi32>
    %gather3A_297 = vector.shape_cast %broadcast_in_dim3A_296 : vector<16x1xi32> to vector<16xi32>
    %gather3A_298 = tpu.dynamic_gather %select_n3A_285[%gather3A_297] in [0] : vector<16xf32>, vector<16xi32> -> vector<16xf32>
    %max3A_299 = arith.maximumf %select_n3A_285, %gather3A_298 : vector<16xf32>
    %xor3A_300 = arith.constant 2 : i32
    %xor3A_301 = vector.broadcast %xor3A_300 : i32 to vector<16xi32>
    %xor3A_302 = arith.xori %iota3A, %xor3A_301 : vector<16xi32>
    %lt3A_303 = arith.constant 0 : i32
    %lt3A_304 = vector.broadcast %lt3A_303 : i32 to vector<16xi32>
    %lt3A_305 = arith.cmpi slt, %xor3A_302, %lt3A_304 : vector<16xi32>
    %add3A_306 = arith.constant 16 : i32
    %add3A_307 = vector.broadcast %add3A_306 : i32 to vector<16xi32>
    %add3A_308 = arith.addi %xor3A_302, %add3A_307 : vector<16xi32>
    %select_n3A_309 = arith.select %lt3A_305, %add3A_308, %xor3A_302 : vector<16xi1>, vector<16xi32>
    %broadcast_in_dim3A_310 = vector.shape_cast %select_n3A_309 : vector<16xi32> to vector<16x1xi32>
    %gather3A_311 = vector.shape_cast %broadcast_in_dim3A_310 : vector<16x1xi32> to vector<16xi32>
    %gather3A_312 = tpu.dynamic_gather %max3A_299[%gather3A_311] in [0] : vector<16xf32>, vector<16xi32> -> vector<16xf32>
    %max3A_313 = arith.maximumf %max3A_299, %gather3A_312 : vector<16xf32>
    %xor3A_314 = arith.constant 4 : i32
    %xor3A_315 = vector.broadcast %xor3A_314 : i32 to vector<16xi32>
    %xor3A_316 = arith.xori %iota3A, %xor3A_315 : vector<16xi32>
    %lt3A_317 = arith.constant 0 : i32
    %lt3A_318 = vector.broadcast %lt3A_317 : i32 to vector<16xi32>
    %lt3A_319 = arith.cmpi slt, %xor3A_316, %lt3A_318 : vector<16xi32>
    %add3A_320 = arith.constant 16 : i32
    %add3A_321 = vector.broadcast %add3A_320 : i32 to vector<16xi32>
    %add3A_322 = arith.addi %xor3A_316, %add3A_321 : vector<16xi32>
    %select_n3A_323 = arith.select %lt3A_319, %add3A_322, %xor3A_316 : vector<16xi1>, vector<16xi32>
    %broadcast_in_dim3A_324 = vector.shape_cast %select_n3A_323 : vector<16xi32> to vector<16x1xi32>
    %gather3A_325 = vector.shape_cast %broadcast_in_dim3A_324 : vector<16x1xi32> to vector<16xi32>
    %gather3A_326 = tpu.dynamic_gather %max3A_313[%gather3A_325] in [0] : vector<16xf32>, vector<16xi32> -> vector<16xf32>
    %max3A_327 = arith.maximumf %max3A_313, %gather3A_326 : vector<16xf32>
    %xor3A_328 = arith.constant 8 : i32
    %xor3A_329 = vector.broadcast %xor3A_328 : i32 to vector<16xi32>
    %xor3A_330 = arith.xori %iota3A, %xor3A_329 : vector<16xi32>
    %lt3A_331 = arith.constant 0 : i32
    %lt3A_332 = vector.broadcast %lt3A_331 : i32 to vector<16xi32>
    %lt3A_333 = arith.cmpi slt, %xor3A_330, %lt3A_332 : vector<16xi32>
    %add3A_334 = arith.constant 16 : i32
    %add3A_335 = vector.broadcast %add3A_334 : i32 to vector<16xi32>
    %add3A_336 = arith.addi %xor3A_330, %add3A_335 : vector<16xi32>
    %select_n3A_337 = arith.select %lt3A_333, %add3A_336, %xor3A_330 : vector<16xi1>, vector<16xi32>
    %broadcast_in_dim3A_338 = vector.shape_cast %select_n3A_337 : vector<16xi32> to vector<16x1xi32>
    %gather3A_339 = vector.shape_cast %broadcast_in_dim3A_338 : vector<16x1xi32> to vector<16xi32>
    %gather3A_340 = tpu.dynamic_gather %max3A_327[%gather3A_339] in [0] : vector<16xf32>, vector<16xi32> -> vector<16xf32>
    %max3A_341 = arith.maximumf %max3A_327, %gather3A_340 : vector<16xf32>
    %xor3A_342 = arith.constant 1 : i32
    %xor3A_343 = vector.broadcast %xor3A_342 : i32 to vector<16xi32>
    %xor3A_344 = arith.xori %iota3A, %xor3A_343 : vector<16xi32>
    %lt3A_345 = arith.constant 0 : i32
    %lt3A_346 = vector.broadcast %lt3A_345 : i32 to vector<16xi32>
    %lt3A_347 = arith.cmpi slt, %xor3A_344, %lt3A_346 : vector<16xi32>
    %add3A_348 = arith.constant 16 : i32
    %add3A_349 = vector.broadcast %add3A_348 : i32 to vector<16xi32>
    %add3A_350 = arith.addi %xor3A_344, %add3A_349 : vector<16xi32>
    %select_n3A_351 = arith.select %lt3A_347, %add3A_350, %xor3A_344 : vector<16xi1>, vector<16xi32>
    %broadcast_in_dim3A_352 = vector.shape_cast %select_n3A_351 : vector<16xi32> to vector<16x1xi32>
    %gather3A_353 = vector.shape_cast %broadcast_in_dim3A_352 : vector<16x1xi32> to vector<16xi32>
    %gather3A_354 = tpu.dynamic_gather %select_n3A[%gather3A_353] in [0] : vector<16xf32>, vector<16xi32> -> vector<16xf32>
    %add3A_355 = arith.addf %select_n3A, %gather3A_354 : vector<16xf32>
    %xor3A_356 = arith.constant 2 : i32
    %xor3A_357 = vector.broadcast %xor3A_356 : i32 to vector<16xi32>
    %xor3A_358 = arith.xori %iota3A, %xor3A_357 : vector<16xi32>
    %lt3A_359 = arith.constant 0 : i32
    %lt3A_360 = vector.broadcast %lt3A_359 : i32 to vector<16xi32>
    %lt3A_361 = arith.cmpi slt, %xor3A_358, %lt3A_360 : vector<16xi32>
    %add3A_362 = arith.constant 16 : i32
    %add3A_363 = vector.broadcast %add3A_362 : i32 to vector<16xi32>
    %add3A_364 = arith.addi %xor3A_358, %add3A_363 : vector<16xi32>
    %select_n3A_365 = arith.select %lt3A_361, %add3A_364, %xor3A_358 : vector<16xi1>, vector<16xi32>
    %broadcast_in_dim3A_366 = vector.shape_cast %select_n3A_365 : vector<16xi32> to vector<16x1xi32>
    %gather3A_367 = vector.shape_cast %broadcast_in_dim3A_366 : vector<16x1xi32> to vector<16xi32>
    %gather3A_368 = tpu.dynamic_gather %add3A_355[%gather3A_367] in [0] : vector<16xf32>, vector<16xi32> -> vector<16xf32>
    %add3A_369 = arith.addf %add3A_355, %gather3A_368 : vector<16xf32>
    %xor3A_370 = arith.constant 4 : i32
    %xor3A_371 = vector.broadcast %xor3A_370 : i32 to vector<16xi32>
    %xor3A_372 = arith.xori %iota3A, %xor3A_371 : vector<16xi32>
    %lt3A_373 = arith.constant 0 : i32
    %lt3A_374 = vector.broadcast %lt3A_373 : i32 to vector<16xi32>
    %lt3A_375 = arith.cmpi slt, %xor3A_372, %lt3A_374 : vector<16xi32>
    %add3A_376 = arith.constant 16 : i32
    %add3A_377 = vector.broadcast %add3A_376 : i32 to vector<16xi32>
    %add3A_378 = arith.addi %xor3A_372, %add3A_377 : vector<16xi32>
    %select_n3A_379 = arith.select %lt3A_375, %add3A_378, %xor3A_372 : vector<16xi1>, vector<16xi32>
    %broadcast_in_dim3A_380 = vector.shape_cast %select_n3A_379 : vector<16xi32> to vector<16x1xi32>
    %gather3A_381 = vector.shape_cast %broadcast_in_dim3A_380 : vector<16x1xi32> to vector<16xi32>
    %gather3A_382 = tpu.dynamic_gather %add3A_369[%gather3A_381] in [0] : vector<16xf32>, vector<16xi32> -> vector<16xf32>
    %add3A_383 = arith.addf %add3A_369, %gather3A_382 : vector<16xf32>
    %xor3A_384 = arith.constant 8 : i32
    %xor3A_385 = vector.broadcast %xor3A_384 : i32 to vector<16xi32>
    %xor3A_386 = arith.xori %iota3A, %xor3A_385 : vector<16xi32>
    %lt3A_387 = arith.constant 0 : i32
    %lt3A_388 = vector.broadcast %lt3A_387 : i32 to vector<16xi32>
    %lt3A_389 = arith.cmpi slt, %xor3A_386, %lt3A_388 : vector<16xi32>
    %add3A_390 = arith.constant 16 : i32
    %add3A_391 = vector.broadcast %add3A_390 : i32 to vector<16xi32>
    %add3A_392 = arith.addi %xor3A_386, %add3A_391 : vector<16xi32>
    %select_n3A_393 = arith.select %lt3A_389, %add3A_392, %xor3A_386 : vector<16xi1>, vector<16xi32>
    %broadcast_in_dim3A_394 = vector.shape_cast %select_n3A_393 : vector<16xi32> to vector<16x1xi32>
    %gather3A_395 = vector.shape_cast %broadcast_in_dim3A_394 : vector<16x1xi32> to vector<16xi32>
    %gather3A_396 = tpu.dynamic_gather %add3A_383[%gather3A_395] in [0] : vector<16xf32>, vector<16xi32> -> vector<16xf32>
    %add3A_397 = arith.addf %add3A_383, %gather3A_396 : vector<16xf32>
    %gt3A = arith.constant 0.000000e+00 : f32
    %gt3A_398 = vector.broadcast %gt3A : f32 to vector<16xf32>
    %gt3A_399 = arith.cmpf ogt, %add3A_397, %gt3A_398 : vector<16xf32>
    %max3A_400 = arith.constant 1.000000e+00 : f32
    %max3A_401 = vector.broadcast %max3A_400 : f32 to vector<16xf32>
    %max3A_402 = arith.maximumf %add3A_397, %max3A_401 : vector<16xf32>
    %div3A = arith.divf %max3A_341, %max3A_402 : vector<16xf32>
    %ge3A_403 = arith.constant 0.000000e+00 : f32
    %ge3A_404 = vector.broadcast %ge3A_403 : f32 to vector<16xf32>
    %ge3A_405 = arith.cmpf oge, %div3A, %ge3A_404 : vector<16xf32>
    %and3A_406 = arith.andi %gt3A_399, %ge3A_405 : vector<16xi1>
    %jit3A_407 = arith.constant -1.000000e+00 : f32
    %broadcast_in_dim3A_408 = vector.broadcast %jit3A_407 : f32 to vector<16xf32>
    %select_n3A_409 = arith.select %and3A_406, %max3A_282, %broadcast_in_dim3A_408 : vector<16xi1>, vector<16xf32>
    %eq3A_410 = arith.cmpf oeq, %get3A_8, %max3A_282 : vector<16xf32>
    %and3A_411 = arith.andi %eq3A_410, %lt3A_13 : vector<16xi1>
    %jit3A_412 = arith.constant 0xFF800000 : f32
    %broadcast_in_dim3A_413 = vector.broadcast %jit3A_412 : f32 to vector<16xf32>
    %select_n3A_414 = arith.select %and3A_411, %get3A_11, %broadcast_in_dim3A_413 : vector<16xi1>, vector<16xf32>
    %xor3A_415 = arith.constant 1 : i32
    %xor3A_416 = vector.broadcast %xor3A_415 : i32 to vector<16xi32>
    %xor3A_417 = arith.xori %iota3A, %xor3A_416 : vector<16xi32>
    %lt3A_418 = arith.constant 0 : i32
    %lt3A_419 = vector.broadcast %lt3A_418 : i32 to vector<16xi32>
    %lt3A_420 = arith.cmpi slt, %xor3A_417, %lt3A_419 : vector<16xi32>
    %add3A_421 = arith.constant 16 : i32
    %add3A_422 = vector.broadcast %add3A_421 : i32 to vector<16xi32>
    %add3A_423 = arith.addi %xor3A_417, %add3A_422 : vector<16xi32>
    %select_n3A_424 = arith.select %lt3A_420, %add3A_423, %xor3A_417 : vector<16xi1>, vector<16xi32>
    %broadcast_in_dim3A_425 = vector.shape_cast %select_n3A_424 : vector<16xi32> to vector<16x1xi32>
    %gather3A_426 = vector.shape_cast %broadcast_in_dim3A_425 : vector<16x1xi32> to vector<16xi32>
    %gather3A_427 = tpu.dynamic_gather %select_n3A_414[%gather3A_426] in [0] : vector<16xf32>, vector<16xi32> -> vector<16xf32>
    %max3A_428 = arith.maximumf %select_n3A_414, %gather3A_427 : vector<16xf32>
    %xor3A_429 = arith.constant 2 : i32
    %xor3A_430 = vector.broadcast %xor3A_429 : i32 to vector<16xi32>
    %xor3A_431 = arith.xori %iota3A, %xor3A_430 : vector<16xi32>
    %lt3A_432 = arith.constant 0 : i32
    %lt3A_433 = vector.broadcast %lt3A_432 : i32 to vector<16xi32>
    %lt3A_434 = arith.cmpi slt, %xor3A_431, %lt3A_433 : vector<16xi32>
    %add3A_435 = arith.constant 16 : i32
    %add3A_436 = vector.broadcast %add3A_435 : i32 to vector<16xi32>
    %add3A_437 = arith.addi %xor3A_431, %add3A_436 : vector<16xi32>
    %select_n3A_438 = arith.select %lt3A_434, %add3A_437, %xor3A_431 : vector<16xi1>, vector<16xi32>
    %broadcast_in_dim3A_439 = vector.shape_cast %select_n3A_438 : vector<16xi32> to vector<16x1xi32>
    %gather3A_440 = vector.shape_cast %broadcast_in_dim3A_439 : vector<16x1xi32> to vector<16xi32>
    %gather3A_441 = tpu.dynamic_gather %max3A_428[%gather3A_440] in [0] : vector<16xf32>, vector<16xi32> -> vector<16xf32>
    %max3A_442 = arith.maximumf %max3A_428, %gather3A_441 : vector<16xf32>
    %xor3A_443 = arith.constant 4 : i32
    %xor3A_444 = vector.broadcast %xor3A_443 : i32 to vector<16xi32>
    %xor3A_445 = arith.xori %iota3A, %xor3A_444 : vector<16xi32>
    %lt3A_446 = arith.constant 0 : i32
    %lt3A_447 = vector.broadcast %lt3A_446 : i32 to vector<16xi32>
    %lt3A_448 = arith.cmpi slt, %xor3A_445, %lt3A_447 : vector<16xi32>
    %add3A_449 = arith.constant 16 : i32
    %add3A_450 = vector.broadcast %add3A_449 : i32 to vector<16xi32>
    %add3A_451 = arith.addi %xor3A_445, %add3A_450 : vector<16xi32>
    %select_n3A_452 = arith.select %lt3A_448, %add3A_451, %xor3A_445 : vector<16xi1>, vector<16xi32>
    %broadcast_in_dim3A_453 = vector.shape_cast %select_n3A_452 : vector<16xi32> to vector<16x1xi32>
    %gather3A_454 = vector.shape_cast %broadcast_in_dim3A_453 : vector<16x1xi32> to vector<16xi32>
    %gather3A_455 = tpu.dynamic_gather %max3A_442[%gather3A_454] in [0] : vector<16xf32>, vector<16xi32> -> vector<16xf32>
    %max3A_456 = arith.maximumf %max3A_442, %gather3A_455 : vector<16xf32>
    %xor3A_457 = arith.constant 8 : i32
    %xor3A_458 = vector.broadcast %xor3A_457 : i32 to vector<16xi32>
    %xor3A_459 = arith.xori %iota3A, %xor3A_458 : vector<16xi32>
    %lt3A_460 = arith.constant 0 : i32
    %lt3A_461 = vector.broadcast %lt3A_460 : i32 to vector<16xi32>
    %lt3A_462 = arith.cmpi slt, %xor3A_459, %lt3A_461 : vector<16xi32>
    %add3A_463 = arith.constant 16 : i32
    %add3A_464 = vector.broadcast %add3A_463 : i32 to vector<16xi32>
    %add3A_465 = arith.addi %xor3A_459, %add3A_464 : vector<16xi32>
    %select_n3A_466 = arith.select %lt3A_462, %add3A_465, %xor3A_459 : vector<16xi1>, vector<16xi32>
    %broadcast_in_dim3A_467 = vector.shape_cast %select_n3A_466 : vector<16xi32> to vector<16x1xi32>
    %gather3A_468 = vector.shape_cast %broadcast_in_dim3A_467 : vector<16x1xi32> to vector<16xi32>
    %gather3A_469 = tpu.dynamic_gather %max3A_456[%gather3A_468] in [0] : vector<16xf32>, vector<16xi32> -> vector<16xf32>
    %max3A_470 = arith.maximumf %max3A_456, %gather3A_469 : vector<16xf32>
    %jit3A_471 = arith.constant 0.000000e+00 : f32
    %broadcast_in_dim3A_472 = vector.broadcast %jit3A_471 : f32 to vector<16xf32>
    %select_n3A_473 = arith.select %and3A_406, %max3A_470, %broadcast_in_dim3A_472 : vector<16xi1>, vector<16xf32>
    %eq3A_474 = arith.constant 0 : i32
    %eq3A_475 = vector.broadcast %eq3A_474 : i32 to vector<16xi32>
    %eq3A_476 = arith.cmpi eq, %iota3A, %eq3A_475 : vector<16xi32>
    %jit3A_477 = arith.constant 0.000000e+00 : f32
    %broadcast_in_dim3A_478 = vector.broadcast %jit3A_477 : f32 to vector<16xf32>
    %select_n3A_479 = arith.select %eq3A_476, %select_n3A_473, %broadcast_in_dim3A_478 : vector<16xi1>, vector<16xf32>
    %swap3A = arith.constant 0 : index
    %swap3A_480 = tpu.vector_load %arg10[%swap3A] {strides = array<i32>} : memref<16xf32, #tpu.memory_space<vmem>>, vector<16xf32>,
    %swap3A_481 = vector.shape_cast %swap3A_480 : vector<16xf32> to vector<16xf32>
    %swap3A_482 = vector.shape_cast %select_n3A_479 : vector<16xf32> to vector<16xf32>
    tpu.vector_store %arg10[%swap3A], %swap3A_482 {strides = array<i32>} : memref<16xf32, #tpu.memory_space<vmem>>, vector<16xf32>,
    %jit3A_483 = arith.constant 0.000000e+00 : f32
    %broadcast_in_dim3A_484 = vector.broadcast %jit3A_483 : f32 to vector<16xf32>
    %select_n3A_485 = arith.select %eq3A_476, %select_n3A_409, %broadcast_in_dim3A_484 : vector<16xi1>, vector<16xf32>
    %convert_element_type3A = arith.fptosi %select_n3A_485 : vector<16xf32> to vector<16xi32>
    %swap3A_486 = arith.constant 0 : index
    %swap3A_487 = tpu.vector_load %arg11[%swap3A_486] {strides = array<i32>} : memref<16xi32, #tpu.memory_space<vmem>>, vector<16xi32>,
    %swap3A_488 = vector.shape_cast %swap3A_487 : vector<16xi32> to vector<16xi32>
    %swap3A_489 = vector.shape_cast %convert_element_type3A : vector<16xi32> to vector<16xi32>
    tpu.vector_store %arg11[%swap3A_486], %swap3A_489 {strides = array<i32>} : memref<16xi32, #tpu.memory_space<vmem>>, vector<16xi32>,
    "tpu.region"() ({
      %run_scoped3A = tpu.sem_alloc : memref<!tpu.dma_semaphore, #tpu.memory_space<semaphore_mem>>
      %dma_start3A_998 = arith.constant 0 : i32
      %dma_start3A_999 = tpu.memref_slice %arg5[%add3A_4, %dma_start3A_998] : memref<64x16xf32, #tpu.memory_space<hbm>> -> memref<1x16xf32, #tpu.memory_space<hbm>>
      %dma_start3A_1000 = tpu.memref_squeeze %dma_start3A_999 : memref<1x16xf32, #tpu.memory_space<hbm>> -> memref<16xf32, #tpu.memory_space<hbm>>
      %dma_start3A_1001 = arith.constant 0 : i32
      %dma_start3A_1002 = tpu.memref_slice %arg5[%add3A_4, %dma_start3A_1001] : memref<64x16xf32, #tpu.memory_space<hbm>> -> memref<1x16xf32, #tpu.memory_space<hbm>>
      %dma_start3A_1003 = tpu.memref_squeeze %dma_start3A_1002 : memref<1x16xf32, #tpu.memory_space<hbm>> -> memref<16xf32, #tpu.memory_space<hbm>>
      tpu.enqueue_dma source(%arg10 : memref<16xf32, #tpu.memory_space<vmem>>) target(%dma_start3A_1003 : memref<16xf32, #tpu.memory_space<hbm>>) target_semaphore(%run_scoped3A : memref<!tpu.dma_semaphore, #tpu.memory_space<semaphore_mem>>)
      %dma_wait3A_1004 = arith.constant 0 : i32
      %dma_wait3A_1005 = tpu.memref_slice %arg5[%add3A_4, %dma_wait3A_1004] : memref<64x16xf32, #tpu.memory_space<hbm>> -> memref<1x16xf32, #tpu.memory_space<hbm>>
      %dma_wait3A_1006 = tpu.memref_squeeze %dma_wait3A_1005 : memref<1x16xf32, #tpu.memory_space<hbm>> -> memref<16xf32, #tpu.memory_space<hbm>>
      %dma_wait3A_1007 = arith.constant 0 : i32
      %dma_wait3A_1008 = tpu.memref_slice %arg5[%add3A_4, %dma_wait3A_1007] : memref<64x16xf32, #tpu.memory_space<hbm>> -> memref<1x16xf32, #tpu.memory_space<hbm>>
      %dma_wait3A_1009 = tpu.memref_squeeze %dma_wait3A_1008 : memref<1x16xf32, #tpu.memory_space<hbm>> -> memref<16xf32, #tpu.memory_space<hbm>>
      tpu.wait_dma2 semaphore(%run_scoped3A : memref<!tpu.dma_semaphore, #tpu.memory_space<semaphore_mem>>) src(%arg10 : memref<16xf32, #tpu.memory_space<vmem>>) dst(%dma_wait3A_1009 : memref<16xf32, #tpu.memory_space<hbm>>)
      tpu.yield
    }) : () -> ()
    "tpu.region"() ({
      %run_scoped3A = tpu.sem_alloc : memref<!tpu.dma_semaphore, #tpu.memory_space<semaphore_mem>>
      %dma_start3A_998 = arith.constant 0 : i32
      %dma_start3A_999 = tpu.memref_slice %arg6[%add3A_4, %dma_start3A_998] : memref<64x16xi32, #tpu.memory_space<hbm>> -> memref<1x16xi32, #tpu.memory_space<hbm>>
      %dma_start3A_1000 = tpu.memref_squeeze %dma_start3A_999 : memref<1x16xi32, #tpu.memory_space<hbm>> -> memref<16xi32, #tpu.memory_space<hbm>>
      %dma_start3A_1001 = arith.constant 0 : i32
      %dma_start3A_1002 = tpu.memref_slice %arg6[%add3A_4, %dma_start3A_1001] : memref<64x16xi32, #tpu.memory_space<hbm>> -> memref<1x16xi32, #tpu.memory_space<hbm>>
      %dma_start3A_1003 = tpu.memref_squeeze %dma_start3A_1002 : memref<1x16xi32, #tpu.memory_space<hbm>> -> memref<16xi32, #tpu.memory_space<hbm>>
      tpu.enqueue_dma source(%arg11 : memref<16xi32, #tpu.memory_space<vmem>>) target(%dma_start3A_1003 : memref<16xi32, #tpu.memory_space<hbm>>) target_semaphore(%run_scoped3A : memref<!tpu.dma_semaphore, #tpu.memory_space<semaphore_mem>>)
      %dma_wait3A_1004 = arith.constant 0 : i32
      %dma_wait3A_1005 = tpu.memref_slice %arg6[%add3A_4, %dma_wait3A_1004] : memref<64x16xi32, #tpu.memory_space<hbm>> -> memref<1x16xi32, #tpu.memory_space<hbm>>
      %dma_wait3A_1006 = tpu.memref_squeeze %dma_wait3A_1005 : memref<1x16xi32, #tpu.memory_space<hbm>> -> memref<16xi32, #tpu.memory_space<hbm>>
      %dma_wait3A_1007 = arith.constant 0 : i32
      %dma_wait3A_1008 = tpu.memref_slice %arg6[%add3A_4, %dma_wait3A_1007] : memref<64x16xi32, #tpu.memory_space<hbm>> -> memref<1x16xi32, #tpu.memory_space<hbm>>
      %dma_wait3A_1009 = tpu.memref_squeeze %dma_wait3A_1008 : memref<1x16xi32, #tpu.memory_space<hbm>> -> memref<16xi32, #tpu.memory_space<hbm>>
      tpu.wait_dma2 semaphore(%run_scoped3A : memref<!tpu.dma_semaphore, #tpu.memory_space<semaphore_mem>>) src(%arg11 : memref<16xi32, #tpu.memory_space<vmem>>) dst(%dma_wait3A_1009 : memref<16xi32, #tpu.memory_space<hbm>>)
      tpu.yield
    }) : () -> ()
    %mul3A_490 = arith.constant 2 : i32
    %mul3A_491 = arith.muli %add3A, %mul3A_490 : i32
    %add3A_492 = arith.constant 1 : i32
    %add3A_493 = arith.addi %mul3A_491, %add3A_492 : i32
    "tpu.region"() ({
      %run_scoped3A = tpu.sem_alloc : memref<!tpu.dma_semaphore, #tpu.memory_space<semaphore_mem>>
      %dma_start3A_998 = arith.constant 0 : i32
      %dma_start3A_999 = tpu.memref_slice %arg2[%add3A_493, %dma_start3A_998] : memref<64x128xf32, #tpu.memory_space<hbm>> -> memref<1x16xf32, #tpu.memory_space<hbm>>
      %dma_start3A_1000 = tpu.memref_squeeze %dma_start3A_999 : memref<1x16xf32, #tpu.memory_space<hbm>> -> memref<16xf32, #tpu.memory_space<hbm>>
      %dma_start3A_1001 = arith.constant 0 : i32
      %dma_start3A_1002 = tpu.memref_slice %arg2[%add3A_493, %dma_start3A_1001] : memref<64x128xf32, #tpu.memory_space<hbm>> -> memref<1x16xf32, #tpu.memory_space<hbm>>
      %dma_start3A_1003 = tpu.memref_squeeze %dma_start3A_1002 : memref<1x16xf32, #tpu.memory_space<hbm>> -> memref<16xf32, #tpu.memory_space<hbm>>
      tpu.enqueue_dma source(%dma_start3A_1003 : memref<16xf32, #tpu.memory_space<hbm>>) target(%arg7 : memref<16xf32, #tpu.memory_space<vmem>>) target_semaphore(%run_scoped3A : memref<!tpu.dma_semaphore, #tpu.memory_space<semaphore_mem>>)
      %dma_wait3A_1004 = arith.constant 0 : i32
      %dma_wait3A_1005 = tpu.memref_slice %arg2[%add3A_493, %dma_wait3A_1004] : memref<64x128xf32, #tpu.memory_space<hbm>> -> memref<1x16xf32, #tpu.memory_space<hbm>>
      %dma_wait3A_1006 = tpu.memref_squeeze %dma_wait3A_1005 : memref<1x16xf32, #tpu.memory_space<hbm>> -> memref<16xf32, #tpu.memory_space<hbm>>
      %dma_wait3A_1007 = arith.constant 0 : i32
      %dma_wait3A_1008 = tpu.memref_slice %arg2[%add3A_493, %dma_wait3A_1007] : memref<64x128xf32, #tpu.memory_space<hbm>> -> memref<1x16xf32, #tpu.memory_space<hbm>>
      %dma_wait3A_1009 = tpu.memref_squeeze %dma_wait3A_1008 : memref<1x16xf32, #tpu.memory_space<hbm>> -> memref<16xf32, #tpu.memory_space<hbm>>
      tpu.wait_dma2 semaphore(%run_scoped3A : memref<!tpu.dma_semaphore, #tpu.memory_space<semaphore_mem>>) src(%dma_wait3A_1009 : memref<16xf32, #tpu.memory_space<hbm>>) dst(%arg7 : memref<16xf32, #tpu.memory_space<vmem>>)
      tpu.yield
    }) : () -> ()
    "tpu.region"() ({
      %run_scoped3A = tpu.sem_alloc : memref<!tpu.dma_semaphore, #tpu.memory_space<semaphore_mem>>
      %dma_start3A_998 = arith.constant 0 : i32
      %dma_start3A_999 = tpu.memref_slice %arg3[%add3A_493, %dma_start3A_998] : memref<64x128xi32, #tpu.memory_space<hbm>> -> memref<1x16xi32, #tpu.memory_space<hbm>>
      %dma_start3A_1000 = tpu.memref_squeeze %dma_start3A_999 : memref<1x16xi32, #tpu.memory_space<hbm>> -> memref<16xi32, #tpu.memory_space<hbm>>
      %dma_start3A_1001 = arith.constant 0 : i32
      %dma_start3A_1002 = tpu.memref_slice %arg3[%add3A_493, %dma_start3A_1001] : memref<64x128xi32, #tpu.memory_space<hbm>> -> memref<1x16xi32, #tpu.memory_space<hbm>>
      %dma_start3A_1003 = tpu.memref_squeeze %dma_start3A_1002 : memref<1x16xi32, #tpu.memory_space<hbm>> -> memref<16xi32, #tpu.memory_space<hbm>>
      tpu.enqueue_dma source(%dma_start3A_1003 : memref<16xi32, #tpu.memory_space<hbm>>) target(%arg8 : memref<16xi32, #tpu.memory_space<vmem>>) target_semaphore(%run_scoped3A : memref<!tpu.dma_semaphore, #tpu.memory_space<semaphore_mem>>)
      %dma_wait3A_1004 = arith.constant 0 : i32
      %dma_wait3A_1005 = tpu.memref_slice %arg3[%add3A_493, %dma_wait3A_1004] : memref<64x128xi32, #tpu.memory_space<hbm>> -> memref<1x16xi32, #tpu.memory_space<hbm>>
      %dma_wait3A_1006 = tpu.memref_squeeze %dma_wait3A_1005 : memref<1x16xi32, #tpu.memory_space<hbm>> -> memref<16xi32, #tpu.memory_space<hbm>>
      %dma_wait3A_1007 = arith.constant 0 : i32
      %dma_wait3A_1008 = tpu.memref_slice %arg3[%add3A_493, %dma_wait3A_1007] : memref<64x128xi32, #tpu.memory_space<hbm>> -> memref<1x16xi32, #tpu.memory_space<hbm>>
      %dma_wait3A_1009 = tpu.memref_squeeze %dma_wait3A_1008 : memref<1x16xi32, #tpu.memory_space<hbm>> -> memref<16xi32, #tpu.memory_space<hbm>>
      tpu.wait_dma2 semaphore(%run_scoped3A : memref<!tpu.dma_semaphore, #tpu.memory_space<semaphore_mem>>) src(%dma_wait3A_1009 : memref<16xi32, #tpu.memory_space<hbm>>) dst(%arg8 : memref<16xi32, #tpu.memory_space<vmem>>)
      tpu.yield
    }) : () -> ()
    %dma_start3A_494 = arith.constant 0 : i32
    %dma_start3A_495 = tpu.memref_slice %arg4[%dma_start3A_494] : memref<100000xf32, #tpu.memory_space<hbm>> -> memref<100000xf32, #tpu.memory_space<hbm>>
    tpu.enqueue_indirect_dma source(%dma_start3A_495 : memref<100000xf32, #tpu.memory_space<hbm>>) target(%arg9 : memref<16xf32, #tpu.memory_space<vmem>>) offsets(%arg8 : memref<16xi32, #tpu.memory_space<vmem>>) semaphore(%arg12 : memref<!tpu.dma_semaphore, #tpu.memory_space<semaphore_mem>>)
    %dma_wait3A_496 = arith.constant 0 : i32
    %dma_wait3A_497 = tpu.memref_slice %arg4[%dma_wait3A_496] : memref<100000xf32, #tpu.memory_space<hbm>> -> memref<100000xf32, #tpu.memory_space<hbm>>
    tpu.wait_indirect_dma semaphore(%arg12 : memref<!tpu.dma_semaphore, #tpu.memory_space<semaphore_mem>>) src(%dma_wait3A_497 : memref<100000xf32, #tpu.memory_space<hbm>>) dst(%arg9 : memref<16xf32, #tpu.memory_space<vmem>>)
    %iota3A_498 = tpu.iota {dimensions = array<i32: 0>} : vector<16xi32>
    %get3A_499 = arith.constant 0 : index
    %get3A_500 = tpu.vector_load %arg9[%get3A_499] {strides = array<i32>} : memref<16xf32, #tpu.memory_space<vmem>>, vector<16xf32>,
    %get3A_501 = vector.shape_cast %get3A_500 : vector<16xf32> to vector<16xf32>
    %get3A_502 = arith.constant 0 : index
    %get3A_503 = tpu.vector_load %arg7[%get3A_502] {strides = array<i32>} : memref<16xf32, #tpu.memory_space<vmem>>, vector<16xf32>,
    %get3A_504 = vector.shape_cast %get3A_503 : vector<16xf32> to vector<16xf32>
    %lt3A_505 = arith.constant 5 : i32
    %lt3A_506 = vector.broadcast %lt3A_505 : i32 to vector<16xi32>
    %lt3A_507 = arith.cmpi slt, %iota3A_498, %lt3A_506 : vector<16xi32>
    %ge3A_508 = arith.constant 8.000000e-01 : f32
    %ge3A_509 = vector.broadcast %ge3A_508 : f32 to vector<16xf32>
    %ge3A_510 = arith.cmpf oge, %get3A_504, %ge3A_509 : vector<16xf32>
    %and3A_511 = arith.andi %ge3A_510, %lt3A_507 : vector<16xi1>
    %jit3A_512 = arith.constant 1.000000e+00 : f32
    %jit3A_513 = arith.constant 0.000000e+00 : f32
    %broadcast_in_dim3A_514 = vector.broadcast %jit3A_512 : f32 to vector<16xf32>
    %broadcast_in_dim3A_515 = vector.broadcast %jit3A_513 : f32 to vector<16xf32>
    %select_n3A_516 = arith.select %and3A_511, %broadcast_in_dim3A_514, %broadcast_in_dim3A_515 : vector<16xi1>, vector<16xf32>
    %broadcast_in_dim3A_517 = arith.constant 0.000000e+00 : f32
    %broadcast_in_dim3A_518 = vector.broadcast %broadcast_in_dim3A_517 : f32 to vector<16xf32>
    %broadcast_in_dim3A_519 = arith.constant 0 : i32
    %broadcast_in_dim3A_520 = vector.broadcast %broadcast_in_dim3A_519 : i32 to vector<16xi32>
    %lt3A_521 = arith.constant 0 : i32
    %lt3A_522 = vector.broadcast %lt3A_521 : i32 to vector<16xi32>
    %lt3A_523 = arith.cmpi slt, %broadcast_in_dim3A_520, %lt3A_522 : vector<16xi32>
    %add3A_524 = arith.constant 16 : i32
    %add3A_525 = vector.broadcast %add3A_524 : i32 to vector<16xi32>
    %add3A_526 = arith.addi %broadcast_in_dim3A_520, %add3A_525 : vector<16xi32>
    %select_n3A_527 = arith.select %lt3A_523, %add3A_526, %broadcast_in_dim3A_520 : vector<16xi1>, vector<16xi32>
    %broadcast_in_dim3A_528 = vector.shape_cast %select_n3A_527 : vector<16xi32> to vector<16x1xi32>
    %gather3A_529 = vector.shape_cast %broadcast_in_dim3A_528 : vector<16x1xi32> to vector<16xi32>
    %gather3A_530 = tpu.dynamic_gather %get3A_501[%gather3A_529] in [0] : vector<16xf32>, vector<16xi32> -> vector<16xf32>
    %broadcast_in_dim3A_531 = arith.constant 0 : i32
    %broadcast_in_dim3A_532 = vector.broadcast %broadcast_in_dim3A_531 : i32 to vector<16xi32>
    %lt3A_533 = arith.constant 0 : i32
    %lt3A_534 = vector.broadcast %lt3A_533 : i32 to vector<16xi32>
    %lt3A_535 = arith.cmpi slt, %broadcast_in_dim3A_532, %lt3A_534 : vector<16xi32>
    %add3A_536 = arith.constant 16 : i32
    %add3A_537 = vector.broadcast %add3A_536 : i32 to vector<16xi32>
    %add3A_538 = arith.addi %broadcast_in_dim3A_532, %add3A_537 : vector<16xi32>
    %select_n3A_539 = arith.select %lt3A_535, %add3A_538, %broadcast_in_dim3A_532 : vector<16xi1>, vector<16xi32>
    %broadcast_in_dim3A_540 = vector.shape_cast %select_n3A_539 : vector<16xi32> to vector<16x1xi32>
    %gather3A_541 = vector.shape_cast %broadcast_in_dim3A_540 : vector<16x1xi32> to vector<16xi32>
    %gather3A_542 = tpu.dynamic_gather %select_n3A_516[%gather3A_541] in [0] : vector<16xf32>, vector<16xi32> -> vector<16xf32>
    %eq3A_543 = arith.cmpf oeq, %get3A_501, %gather3A_530 : vector<16xf32>
    %jit3A_544 = arith.constant 0.000000e+00 : f32
    %broadcast_in_dim3A_545 = vector.broadcast %jit3A_544 : f32 to vector<16xf32>
    %select_n3A_546 = arith.select %eq3A_543, %gather3A_542, %broadcast_in_dim3A_545 : vector<16xi1>, vector<16xf32>
    %add3A_547 = arith.addf %broadcast_in_dim3A_518, %select_n3A_546 : vector<16xf32>
    %broadcast_in_dim3A_548 = arith.constant 1 : i32
    %broadcast_in_dim3A_549 = vector.broadcast %broadcast_in_dim3A_548 : i32 to vector<16xi32>
    %lt3A_550 = arith.constant 0 : i32
    %lt3A_551 = vector.broadcast %lt3A_550 : i32 to vector<16xi32>
    %lt3A_552 = arith.cmpi slt, %broadcast_in_dim3A_549, %lt3A_551 : vector<16xi32>
    %add3A_553 = arith.constant 16 : i32
    %add3A_554 = vector.broadcast %add3A_553 : i32 to vector<16xi32>
    %add3A_555 = arith.addi %broadcast_in_dim3A_549, %add3A_554 : vector<16xi32>
    %select_n3A_556 = arith.select %lt3A_552, %add3A_555, %broadcast_in_dim3A_549 : vector<16xi1>, vector<16xi32>
    %broadcast_in_dim3A_557 = vector.shape_cast %select_n3A_556 : vector<16xi32> to vector<16x1xi32>
    %gather3A_558 = vector.shape_cast %broadcast_in_dim3A_557 : vector<16x1xi32> to vector<16xi32>
    %gather3A_559 = tpu.dynamic_gather %get3A_501[%gather3A_558] in [0] : vector<16xf32>, vector<16xi32> -> vector<16xf32>
    %broadcast_in_dim3A_560 = arith.constant 1 : i32
    %broadcast_in_dim3A_561 = vector.broadcast %broadcast_in_dim3A_560 : i32 to vector<16xi32>
    %lt3A_562 = arith.constant 0 : i32
    %lt3A_563 = vector.broadcast %lt3A_562 : i32 to vector<16xi32>
    %lt3A_564 = arith.cmpi slt, %broadcast_in_dim3A_561, %lt3A_563 : vector<16xi32>
    %add3A_565 = arith.constant 16 : i32
    %add3A_566 = vector.broadcast %add3A_565 : i32 to vector<16xi32>
    %add3A_567 = arith.addi %broadcast_in_dim3A_561, %add3A_566 : vector<16xi32>
    %select_n3A_568 = arith.select %lt3A_564, %add3A_567, %broadcast_in_dim3A_561 : vector<16xi1>, vector<16xi32>
    %broadcast_in_dim3A_569 = vector.shape_cast %select_n3A_568 : vector<16xi32> to vector<16x1xi32>
    %gather3A_570 = vector.shape_cast %broadcast_in_dim3A_569 : vector<16x1xi32> to vector<16xi32>
    %gather3A_571 = tpu.dynamic_gather %select_n3A_516[%gather3A_570] in [0] : vector<16xf32>, vector<16xi32> -> vector<16xf32>
    %eq3A_572 = arith.cmpf oeq, %get3A_501, %gather3A_559 : vector<16xf32>
    %jit3A_573 = arith.constant 0.000000e+00 : f32
    %broadcast_in_dim3A_574 = vector.broadcast %jit3A_573 : f32 to vector<16xf32>
    %select_n3A_575 = arith.select %eq3A_572, %gather3A_571, %broadcast_in_dim3A_574 : vector<16xi1>, vector<16xf32>
    %add3A_576 = arith.addf %add3A_547, %select_n3A_575 : vector<16xf32>
    %broadcast_in_dim3A_577 = arith.constant 2 : i32
    %broadcast_in_dim3A_578 = vector.broadcast %broadcast_in_dim3A_577 : i32 to vector<16xi32>
    %lt3A_579 = arith.constant 0 : i32
    %lt3A_580 = vector.broadcast %lt3A_579 : i32 to vector<16xi32>
    %lt3A_581 = arith.cmpi slt, %broadcast_in_dim3A_578, %lt3A_580 : vector<16xi32>
    %add3A_582 = arith.constant 16 : i32
    %add3A_583 = vector.broadcast %add3A_582 : i32 to vector<16xi32>
    %add3A_584 = arith.addi %broadcast_in_dim3A_578, %add3A_583 : vector<16xi32>
    %select_n3A_585 = arith.select %lt3A_581, %add3A_584, %broadcast_in_dim3A_578 : vector<16xi1>, vector<16xi32>
    %broadcast_in_dim3A_586 = vector.shape_cast %select_n3A_585 : vector<16xi32> to vector<16x1xi32>
    %gather3A_587 = vector.shape_cast %broadcast_in_dim3A_586 : vector<16x1xi32> to vector<16xi32>
    %gather3A_588 = tpu.dynamic_gather %get3A_501[%gather3A_587] in [0] : vector<16xf32>, vector<16xi32> -> vector<16xf32>
    %broadcast_in_dim3A_589 = arith.constant 2 : i32
    %broadcast_in_dim3A_590 = vector.broadcast %broadcast_in_dim3A_589 : i32 to vector<16xi32>
    %lt3A_591 = arith.constant 0 : i32
    %lt3A_592 = vector.broadcast %lt3A_591 : i32 to vector<16xi32>
    %lt3A_593 = arith.cmpi slt, %broadcast_in_dim3A_590, %lt3A_592 : vector<16xi32>
    %add3A_594 = arith.constant 16 : i32
    %add3A_595 = vector.broadcast %add3A_594 : i32 to vector<16xi32>
    %add3A_596 = arith.addi %broadcast_in_dim3A_590, %add3A_595 : vector<16xi32>
    %select_n3A_597 = arith.select %lt3A_593, %add3A_596, %broadcast_in_dim3A_590 : vector<16xi1>, vector<16xi32>
    %broadcast_in_dim3A_598 = vector.shape_cast %select_n3A_597 : vector<16xi32> to vector<16x1xi32>
    %gather3A_599 = vector.shape_cast %broadcast_in_dim3A_598 : vector<16x1xi32> to vector<16xi32>
    %gather3A_600 = tpu.dynamic_gather %select_n3A_516[%gather3A_599] in [0] : vector<16xf32>, vector<16xi32> -> vector<16xf32>
    %eq3A_601 = arith.cmpf oeq, %get3A_501, %gather3A_588 : vector<16xf32>
    %jit3A_602 = arith.constant 0.000000e+00 : f32
    %broadcast_in_dim3A_603 = vector.broadcast %jit3A_602 : f32 to vector<16xf32>
    %select_n3A_604 = arith.select %eq3A_601, %gather3A_600, %broadcast_in_dim3A_603 : vector<16xi1>, vector<16xf32>
    %add3A_605 = arith.addf %add3A_576, %select_n3A_604 : vector<16xf32>
    %broadcast_in_dim3A_606 = arith.constant 3 : i32
    %broadcast_in_dim3A_607 = vector.broadcast %broadcast_in_dim3A_606 : i32 to vector<16xi32>
    %lt3A_608 = arith.constant 0 : i32
    %lt3A_609 = vector.broadcast %lt3A_608 : i32 to vector<16xi32>
    %lt3A_610 = arith.cmpi slt, %broadcast_in_dim3A_607, %lt3A_609 : vector<16xi32>
    %add3A_611 = arith.constant 16 : i32
    %add3A_612 = vector.broadcast %add3A_611 : i32 to vector<16xi32>
    %add3A_613 = arith.addi %broadcast_in_dim3A_607, %add3A_612 : vector<16xi32>
    %select_n3A_614 = arith.select %lt3A_610, %add3A_613, %broadcast_in_dim3A_607 : vector<16xi1>, vector<16xi32>
    %broadcast_in_dim3A_615 = vector.shape_cast %select_n3A_614 : vector<16xi32> to vector<16x1xi32>
    %gather3A_616 = vector.shape_cast %broadcast_in_dim3A_615 : vector<16x1xi32> to vector<16xi32>
    %gather3A_617 = tpu.dynamic_gather %get3A_501[%gather3A_616] in [0] : vector<16xf32>, vector<16xi32> -> vector<16xf32>
    %broadcast_in_dim3A_618 = arith.constant 3 : i32
    %broadcast_in_dim3A_619 = vector.broadcast %broadcast_in_dim3A_618 : i32 to vector<16xi32>
    %lt3A_620 = arith.constant 0 : i32
    %lt3A_621 = vector.broadcast %lt3A_620 : i32 to vector<16xi32>
    %lt3A_622 = arith.cmpi slt, %broadcast_in_dim3A_619, %lt3A_621 : vector<16xi32>
    %add3A_623 = arith.constant 16 : i32
    %add3A_624 = vector.broadcast %add3A_623 : i32 to vector<16xi32>
    %add3A_625 = arith.addi %broadcast_in_dim3A_619, %add3A_624 : vector<16xi32>
    %select_n3A_626 = arith.select %lt3A_622, %add3A_625, %broadcast_in_dim3A_619 : vector<16xi1>, vector<16xi32>
    %broadcast_in_dim3A_627 = vector.shape_cast %select_n3A_626 : vector<16xi32> to vector<16x1xi32>
    %gather3A_628 = vector.shape_cast %broadcast_in_dim3A_627 : vector<16x1xi32> to vector<16xi32>
    %gather3A_629 = tpu.dynamic_gather %select_n3A_516[%gather3A_628] in [0] : vector<16xf32>, vector<16xi32> -> vector<16xf32>
    %eq3A_630 = arith.cmpf oeq, %get3A_501, %gather3A_617 : vector<16xf32>
    %jit3A_631 = arith.constant 0.000000e+00 : f32
    %broadcast_in_dim3A_632 = vector.broadcast %jit3A_631 : f32 to vector<16xf32>
    %select_n3A_633 = arith.select %eq3A_630, %gather3A_629, %broadcast_in_dim3A_632 : vector<16xi1>, vector<16xf32>
    %add3A_634 = arith.addf %add3A_605, %select_n3A_633 : vector<16xf32>
    %broadcast_in_dim3A_635 = arith.constant 4 : i32
    %broadcast_in_dim3A_636 = vector.broadcast %broadcast_in_dim3A_635 : i32 to vector<16xi32>
    %lt3A_637 = arith.constant 0 : i32
    %lt3A_638 = vector.broadcast %lt3A_637 : i32 to vector<16xi32>
    %lt3A_639 = arith.cmpi slt, %broadcast_in_dim3A_636, %lt3A_638 : vector<16xi32>
    %add3A_640 = arith.constant 16 : i32
    %add3A_641 = vector.broadcast %add3A_640 : i32 to vector<16xi32>
    %add3A_642 = arith.addi %broadcast_in_dim3A_636, %add3A_641 : vector<16xi32>
    %select_n3A_643 = arith.select %lt3A_639, %add3A_642, %broadcast_in_dim3A_636 : vector<16xi1>, vector<16xi32>
    %broadcast_in_dim3A_644 = vector.shape_cast %select_n3A_643 : vector<16xi32> to vector<16x1xi32>
    %gather3A_645 = vector.shape_cast %broadcast_in_dim3A_644 : vector<16x1xi32> to vector<16xi32>
    %gather3A_646 = tpu.dynamic_gather %get3A_501[%gather3A_645] in [0] : vector<16xf32>, vector<16xi32> -> vector<16xf32>
    %broadcast_in_dim3A_647 = arith.constant 4 : i32
    %broadcast_in_dim3A_648 = vector.broadcast %broadcast_in_dim3A_647 : i32 to vector<16xi32>
    %lt3A_649 = arith.constant 0 : i32
    %lt3A_650 = vector.broadcast %lt3A_649 : i32 to vector<16xi32>
    %lt3A_651 = arith.cmpi slt, %broadcast_in_dim3A_648, %lt3A_650 : vector<16xi32>
    %add3A_652 = arith.constant 16 : i32
    %add3A_653 = vector.broadcast %add3A_652 : i32 to vector<16xi32>
    %add3A_654 = arith.addi %broadcast_in_dim3A_648, %add3A_653 : vector<16xi32>
    %select_n3A_655 = arith.select %lt3A_651, %add3A_654, %broadcast_in_dim3A_648 : vector<16xi1>, vector<16xi32>
    %broadcast_in_dim3A_656 = vector.shape_cast %select_n3A_655 : vector<16xi32> to vector<16x1xi32>
    %gather3A_657 = vector.shape_cast %broadcast_in_dim3A_656 : vector<16x1xi32> to vector<16xi32>
    %gather3A_658 = tpu.dynamic_gather %select_n3A_516[%gather3A_657] in [0] : vector<16xf32>, vector<16xi32> -> vector<16xf32>
    %eq3A_659 = arith.cmpf oeq, %get3A_501, %gather3A_646 : vector<16xf32>
    %jit3A_660 = arith.constant 0.000000e+00 : f32
    %broadcast_in_dim3A_661 = vector.broadcast %jit3A_660 : f32 to vector<16xf32>
    %select_n3A_662 = arith.select %eq3A_659, %gather3A_658, %broadcast_in_dim3A_661 : vector<16xi1>, vector<16xf32>
    %add3A_663 = arith.addf %add3A_634, %select_n3A_662 : vector<16xf32>
    %mul3A_664 = arith.constant 1.000000e+06 : f32
    %mul3A_665 = vector.broadcast %mul3A_664 : f32 to vector<16xf32>
    %mul3A_666 = arith.mulf %add3A_663, %mul3A_665 : vector<16xf32>
    %sub3A_667 = arith.subf %mul3A_666, %get3A_501 : vector<16xf32>
    %jit3A_668 = arith.constant 0xFF800000 : f32
    %broadcast_in_dim3A_669 = vector.broadcast %jit3A_668 : f32 to vector<16xf32>
    %select_n3A_670 = arith.select %and3A_511, %sub3A_667, %broadcast_in_dim3A_669 : vector<16xi1>, vector<16xf32>
    %xor3A_671 = arith.constant 1 : i32
    %xor3A_672 = vector.broadcast %xor3A_671 : i32 to vector<16xi32>
    %xor3A_673 = arith.xori %iota3A_498, %xor3A_672 : vector<16xi32>
    %lt3A_674 = arith.constant 0 : i32
    %lt3A_675 = vector.broadcast %lt3A_674 : i32 to vector<16xi32>
    %lt3A_676 = arith.cmpi slt, %xor3A_673, %lt3A_675 : vector<16xi32>
    %add3A_677 = arith.constant 16 : i32
    %add3A_678 = vector.broadcast %add3A_677 : i32 to vector<16xi32>
    %add3A_679 = arith.addi %xor3A_673, %add3A_678 : vector<16xi32>
    %select_n3A_680 = arith.select %lt3A_676, %add3A_679, %xor3A_673 : vector<16xi1>, vector<16xi32>
    %broadcast_in_dim3A_681 = vector.shape_cast %select_n3A_680 : vector<16xi32> to vector<16x1xi32>
    %gather3A_682 = vector.shape_cast %broadcast_in_dim3A_681 : vector<16x1xi32> to vector<16xi32>
    %gather3A_683 = tpu.dynamic_gather %select_n3A_670[%gather3A_682] in [0] : vector<16xf32>, vector<16xi32> -> vector<16xf32>
    %max3A_684 = arith.maximumf %select_n3A_670, %gather3A_683 : vector<16xf32>
    %xor3A_685 = arith.constant 2 : i32
    %xor3A_686 = vector.broadcast %xor3A_685 : i32 to vector<16xi32>
    %xor3A_687 = arith.xori %iota3A_498, %xor3A_686 : vector<16xi32>
    %lt3A_688 = arith.constant 0 : i32
    %lt3A_689 = vector.broadcast %lt3A_688 : i32 to vector<16xi32>
    %lt3A_690 = arith.cmpi slt, %xor3A_687, %lt3A_689 : vector<16xi32>
    %add3A_691 = arith.constant 16 : i32
    %add3A_692 = vector.broadcast %add3A_691 : i32 to vector<16xi32>
    %add3A_693 = arith.addi %xor3A_687, %add3A_692 : vector<16xi32>
    %select_n3A_694 = arith.select %lt3A_690, %add3A_693, %xor3A_687 : vector<16xi1>, vector<16xi32>
    %broadcast_in_dim3A_695 = vector.shape_cast %select_n3A_694 : vector<16xi32> to vector<16x1xi32>
    %gather3A_696 = vector.shape_cast %broadcast_in_dim3A_695 : vector<16x1xi32> to vector<16xi32>
    %gather3A_697 = tpu.dynamic_gather %max3A_684[%gather3A_696] in [0] : vector<16xf32>, vector<16xi32> -> vector<16xf32>
    %max3A_698 = arith.maximumf %max3A_684, %gather3A_697 : vector<16xf32>
    %xor3A_699 = arith.constant 4 : i32
    %xor3A_700 = vector.broadcast %xor3A_699 : i32 to vector<16xi32>
    %xor3A_701 = arith.xori %iota3A_498, %xor3A_700 : vector<16xi32>
    %lt3A_702 = arith.constant 0 : i32
    %lt3A_703 = vector.broadcast %lt3A_702 : i32 to vector<16xi32>
    %lt3A_704 = arith.cmpi slt, %xor3A_701, %lt3A_703 : vector<16xi32>
    %add3A_705 = arith.constant 16 : i32
    %add3A_706 = vector.broadcast %add3A_705 : i32 to vector<16xi32>
    %add3A_707 = arith.addi %xor3A_701, %add3A_706 : vector<16xi32>
    %select_n3A_708 = arith.select %lt3A_704, %add3A_707, %xor3A_701 : vector<16xi1>, vector<16xi32>
    %broadcast_in_dim3A_709 = vector.shape_cast %select_n3A_708 : vector<16xi32> to vector<16x1xi32>
    %gather3A_710 = vector.shape_cast %broadcast_in_dim3A_709 : vector<16x1xi32> to vector<16xi32>
    %gather3A_711 = tpu.dynamic_gather %max3A_698[%gather3A_710] in [0] : vector<16xf32>, vector<16xi32> -> vector<16xf32>
    %max3A_712 = arith.maximumf %max3A_698, %gather3A_711 : vector<16xf32>
    %xor3A_713 = arith.constant 8 : i32
    %xor3A_714 = vector.broadcast %xor3A_713 : i32 to vector<16xi32>
    %xor3A_715 = arith.xori %iota3A_498, %xor3A_714 : vector<16xi32>
    %lt3A_716 = arith.constant 0 : i32
    %lt3A_717 = vector.broadcast %lt3A_716 : i32 to vector<16xi32>
    %lt3A_718 = arith.cmpi slt, %xor3A_715, %lt3A_717 : vector<16xi32>
    %add3A_719 = arith.constant 16 : i32
    %add3A_720 = vector.broadcast %add3A_719 : i32 to vector<16xi32>
    %add3A_721 = arith.addi %xor3A_715, %add3A_720 : vector<16xi32>
    %select_n3A_722 = arith.select %lt3A_718, %add3A_721, %xor3A_715 : vector<16xi1>, vector<16xi32>
    %broadcast_in_dim3A_723 = vector.shape_cast %select_n3A_722 : vector<16xi32> to vector<16x1xi32>
    %gather3A_724 = vector.shape_cast %broadcast_in_dim3A_723 : vector<16x1xi32> to vector<16xi32>
    %gather3A_725 = tpu.dynamic_gather %max3A_712[%gather3A_724] in [0] : vector<16xf32>, vector<16xi32> -> vector<16xf32>
    %max3A_726 = arith.maximumf %max3A_712, %gather3A_725 : vector<16xf32>
    %eq3A_727 = arith.cmpf oeq, %select_n3A_670, %max3A_726 : vector<16xf32>
    %jit3A_728 = arith.constant -2.000000e+09 : f32
    %broadcast_in_dim3A_729 = vector.broadcast %jit3A_728 : f32 to vector<16xf32>
    %select_n3A_730 = arith.select %eq3A_727, %get3A_501, %broadcast_in_dim3A_729 : vector<16xi1>, vector<16xf32>
    %xor3A_731 = arith.constant 1 : i32
    %xor3A_732 = vector.broadcast %xor3A_731 : i32 to vector<16xi32>
    %xor3A_733 = arith.xori %iota3A_498, %xor3A_732 : vector<16xi32>
    %lt3A_734 = arith.constant 0 : i32
    %lt3A_735 = vector.broadcast %lt3A_734 : i32 to vector<16xi32>
    %lt3A_736 = arith.cmpi slt, %xor3A_733, %lt3A_735 : vector<16xi32>
    %add3A_737 = arith.constant 16 : i32
    %add3A_738 = vector.broadcast %add3A_737 : i32 to vector<16xi32>
    %add3A_739 = arith.addi %xor3A_733, %add3A_738 : vector<16xi32>
    %select_n3A_740 = arith.select %lt3A_736, %add3A_739, %xor3A_733 : vector<16xi1>, vector<16xi32>
    %broadcast_in_dim3A_741 = vector.shape_cast %select_n3A_740 : vector<16xi32> to vector<16x1xi32>
    %gather3A_742 = vector.shape_cast %broadcast_in_dim3A_741 : vector<16x1xi32> to vector<16xi32>
    %gather3A_743 = tpu.dynamic_gather %select_n3A_730[%gather3A_742] in [0] : vector<16xf32>, vector<16xi32> -> vector<16xf32>
    %max3A_744 = arith.maximumf %select_n3A_730, %gather3A_743 : vector<16xf32>
    %xor3A_745 = arith.constant 2 : i32
    %xor3A_746 = vector.broadcast %xor3A_745 : i32 to vector<16xi32>
    %xor3A_747 = arith.xori %iota3A_498, %xor3A_746 : vector<16xi32>
    %lt3A_748 = arith.constant 0 : i32
    %lt3A_749 = vector.broadcast %lt3A_748 : i32 to vector<16xi32>
    %lt3A_750 = arith.cmpi slt, %xor3A_747, %lt3A_749 : vector<16xi32>
    %add3A_751 = arith.constant 16 : i32
    %add3A_752 = vector.broadcast %add3A_751 : i32 to vector<16xi32>
    %add3A_753 = arith.addi %xor3A_747, %add3A_752 : vector<16xi32>
    %select_n3A_754 = arith.select %lt3A_750, %add3A_753, %xor3A_747 : vector<16xi1>, vector<16xi32>
    %broadcast_in_dim3A_755 = vector.shape_cast %select_n3A_754 : vector<16xi32> to vector<16x1xi32>
    %gather3A_756 = vector.shape_cast %broadcast_in_dim3A_755 : vector<16x1xi32> to vector<16xi32>
    %gather3A_757 = tpu.dynamic_gather %max3A_744[%gather3A_756] in [0] : vector<16xf32>, vector<16xi32> -> vector<16xf32>
    %max3A_758 = arith.maximumf %max3A_744, %gather3A_757 : vector<16xf32>
    %xor3A_759 = arith.constant 4 : i32
    %xor3A_760 = vector.broadcast %xor3A_759 : i32 to vector<16xi32>
    %xor3A_761 = arith.xori %iota3A_498, %xor3A_760 : vector<16xi32>
    %lt3A_762 = arith.constant 0 : i32
    %lt3A_763 = vector.broadcast %lt3A_762 : i32 to vector<16xi32>
    %lt3A_764 = arith.cmpi slt, %xor3A_761, %lt3A_763 : vector<16xi32>
    %add3A_765 = arith.constant 16 : i32
    %add3A_766 = vector.broadcast %add3A_765 : i32 to vector<16xi32>
    %add3A_767 = arith.addi %xor3A_761, %add3A_766 : vector<16xi32>
    %select_n3A_768 = arith.select %lt3A_764, %add3A_767, %xor3A_761 : vector<16xi1>, vector<16xi32>
    %broadcast_in_dim3A_769 = vector.shape_cast %select_n3A_768 : vector<16xi32> to vector<16x1xi32>
    %gather3A_770 = vector.shape_cast %broadcast_in_dim3A_769 : vector<16x1xi32> to vector<16xi32>
    %gather3A_771 = tpu.dynamic_gather %max3A_758[%gather3A_770] in [0] : vector<16xf32>, vector<16xi32> -> vector<16xf32>
    %max3A_772 = arith.maximumf %max3A_758, %gather3A_771 : vector<16xf32>
    %xor3A_773 = arith.constant 8 : i32
    %xor3A_774 = vector.broadcast %xor3A_773 : i32 to vector<16xi32>
    %xor3A_775 = arith.xori %iota3A_498, %xor3A_774 : vector<16xi32>
    %lt3A_776 = arith.constant 0 : i32
    %lt3A_777 = vector.broadcast %lt3A_776 : i32 to vector<16xi32>
    %lt3A_778 = arith.cmpi slt, %xor3A_775, %lt3A_777 : vector<16xi32>
    %add3A_779 = arith.constant 16 : i32
    %add3A_780 = vector.broadcast %add3A_779 : i32 to vector<16xi32>
    %add3A_781 = arith.addi %xor3A_775, %add3A_780 : vector<16xi32>
    %select_n3A_782 = arith.select %lt3A_778, %add3A_781, %xor3A_775 : vector<16xi1>, vector<16xi32>
    %broadcast_in_dim3A_783 = vector.shape_cast %select_n3A_782 : vector<16xi32> to vector<16x1xi32>
    %gather3A_784 = vector.shape_cast %broadcast_in_dim3A_783 : vector<16x1xi32> to vector<16xi32>
    %gather3A_785 = tpu.dynamic_gather %max3A_772[%gather3A_784] in [0] : vector<16xf32>, vector<16xi32> -> vector<16xf32>
    %max3A_786 = arith.maximumf %max3A_772, %gather3A_785 : vector<16xf32>
    %jit3A_787 = arith.constant -1.000000e+00 : f32
    %broadcast_in_dim3A_788 = vector.broadcast %jit3A_787 : f32 to vector<16xf32>
    %select_n3A_789 = arith.select %eq3A_727, %add3A_663, %broadcast_in_dim3A_788 : vector<16xi1>, vector<16xf32>
    %xor3A_790 = arith.constant 1 : i32
    %xor3A_791 = vector.broadcast %xor3A_790 : i32 to vector<16xi32>
    %xor3A_792 = arith.xori %iota3A_498, %xor3A_791 : vector<16xi32>
    %lt3A_793 = arith.constant 0 : i32
    %lt3A_794 = vector.broadcast %lt3A_793 : i32 to vector<16xi32>
    %lt3A_795 = arith.cmpi slt, %xor3A_792, %lt3A_794 : vector<16xi32>
    %add3A_796 = arith.constant 16 : i32
    %add3A_797 = vector.broadcast %add3A_796 : i32 to vector<16xi32>
    %add3A_798 = arith.addi %xor3A_792, %add3A_797 : vector<16xi32>
    %select_n3A_799 = arith.select %lt3A_795, %add3A_798, %xor3A_792 : vector<16xi1>, vector<16xi32>
    %broadcast_in_dim3A_800 = vector.shape_cast %select_n3A_799 : vector<16xi32> to vector<16x1xi32>
    %gather3A_801 = vector.shape_cast %broadcast_in_dim3A_800 : vector<16x1xi32> to vector<16xi32>
    %gather3A_802 = tpu.dynamic_gather %select_n3A_789[%gather3A_801] in [0] : vector<16xf32>, vector<16xi32> -> vector<16xf32>
    %max3A_803 = arith.maximumf %select_n3A_789, %gather3A_802 : vector<16xf32>
    %xor3A_804 = arith.constant 2 : i32
    %xor3A_805 = vector.broadcast %xor3A_804 : i32 to vector<16xi32>
    %xor3A_806 = arith.xori %iota3A_498, %xor3A_805 : vector<16xi32>
    %lt3A_807 = arith.constant 0 : i32
    %lt3A_808 = vector.broadcast %lt3A_807 : i32 to vector<16xi32>
    %lt3A_809 = arith.cmpi slt, %xor3A_806, %lt3A_808 : vector<16xi32>
    %add3A_810 = arith.constant 16 : i32
    %add3A_811 = vector.broadcast %add3A_810 : i32 to vector<16xi32>
    %add3A_812 = arith.addi %xor3A_806, %add3A_811 : vector<16xi32>
    %select_n3A_813 = arith.select %lt3A_809, %add3A_812, %xor3A_806 : vector<16xi1>, vector<16xi32>
    %broadcast_in_dim3A_814 = vector.shape_cast %select_n3A_813 : vector<16xi32> to vector<16x1xi32>
    %gather3A_815 = vector.shape_cast %broadcast_in_dim3A_814 : vector<16x1xi32> to vector<16xi32>
    %gather3A_816 = tpu.dynamic_gather %max3A_803[%gather3A_815] in [0] : vector<16xf32>, vector<16xi32> -> vector<16xf32>
    %max3A_817 = arith.maximumf %max3A_803, %gather3A_816 : vector<16xf32>
    %xor3A_818 = arith.constant 4 : i32
    %xor3A_819 = vector.broadcast %xor3A_818 : i32 to vector<16xi32>
    %xor3A_820 = arith.xori %iota3A_498, %xor3A_819 : vector<16xi32>
    %lt3A_821 = arith.constant 0 : i32
    %lt3A_822 = vector.broadcast %lt3A_821 : i32 to vector<16xi32>
    %lt3A_823 = arith.cmpi slt, %xor3A_820, %lt3A_822 : vector<16xi32>
    %add3A_824 = arith.constant 16 : i32
    %add3A_825 = vector.broadcast %add3A_824 : i32 to vector<16xi32>
    %add3A_826 = arith.addi %xor3A_820, %add3A_825 : vector<16xi32>
    %select_n3A_827 = arith.select %lt3A_823, %add3A_826, %xor3A_820 : vector<16xi1>, vector<16xi32>
    %broadcast_in_dim3A_828 = vector.shape_cast %select_n3A_827 : vector<16xi32> to vector<16x1xi32>
    %gather3A_829 = vector.shape_cast %broadcast_in_dim3A_828 : vector<16x1xi32> to vector<16xi32>
    %gather3A_830 = tpu.dynamic_gather %max3A_817[%gather3A_829] in [0] : vector<16xf32>, vector<16xi32> -> vector<16xf32>
    %max3A_831 = arith.maximumf %max3A_817, %gather3A_830 : vector<16xf32>
    %xor3A_832 = arith.constant 8 : i32
    %xor3A_833 = vector.broadcast %xor3A_832 : i32 to vector<16xi32>
    %xor3A_834 = arith.xori %iota3A_498, %xor3A_833 : vector<16xi32>
    %lt3A_835 = arith.constant 0 : i32
    %lt3A_836 = vector.broadcast %lt3A_835 : i32 to vector<16xi32>
    %lt3A_837 = arith.cmpi slt, %xor3A_834, %lt3A_836 : vector<16xi32>
    %add3A_838 = arith.constant 16 : i32
    %add3A_839 = vector.broadcast %add3A_838 : i32 to vector<16xi32>
    %add3A_840 = arith.addi %xor3A_834, %add3A_839 : vector<16xi32>
    %select_n3A_841 = arith.select %lt3A_837, %add3A_840, %xor3A_834 : vector<16xi1>, vector<16xi32>
    %broadcast_in_dim3A_842 = vector.shape_cast %select_n3A_841 : vector<16xi32> to vector<16x1xi32>
    %gather3A_843 = vector.shape_cast %broadcast_in_dim3A_842 : vector<16x1xi32> to vector<16xi32>
    %gather3A_844 = tpu.dynamic_gather %max3A_831[%gather3A_843] in [0] : vector<16xf32>, vector<16xi32> -> vector<16xf32>
    %max3A_845 = arith.maximumf %max3A_831, %gather3A_844 : vector<16xf32>
    %xor3A_846 = arith.constant 1 : i32
    %xor3A_847 = vector.broadcast %xor3A_846 : i32 to vector<16xi32>
    %xor3A_848 = arith.xori %iota3A_498, %xor3A_847 : vector<16xi32>
    %lt3A_849 = arith.constant 0 : i32
    %lt3A_850 = vector.broadcast %lt3A_849 : i32 to vector<16xi32>
    %lt3A_851 = arith.cmpi slt, %xor3A_848, %lt3A_850 : vector<16xi32>
    %add3A_852 = arith.constant 16 : i32
    %add3A_853 = vector.broadcast %add3A_852 : i32 to vector<16xi32>
    %add3A_854 = arith.addi %xor3A_848, %add3A_853 : vector<16xi32>
    %select_n3A_855 = arith.select %lt3A_851, %add3A_854, %xor3A_848 : vector<16xi1>, vector<16xi32>
    %broadcast_in_dim3A_856 = vector.shape_cast %select_n3A_855 : vector<16xi32> to vector<16x1xi32>
    %gather3A_857 = vector.shape_cast %broadcast_in_dim3A_856 : vector<16x1xi32> to vector<16xi32>
    %gather3A_858 = tpu.dynamic_gather %select_n3A_516[%gather3A_857] in [0] : vector<16xf32>, vector<16xi32> -> vector<16xf32>
    %add3A_859 = arith.addf %select_n3A_516, %gather3A_858 : vector<16xf32>
    %xor3A_860 = arith.constant 2 : i32
    %xor3A_861 = vector.broadcast %xor3A_860 : i32 to vector<16xi32>
    %xor3A_862 = arith.xori %iota3A_498, %xor3A_861 : vector<16xi32>
    %lt3A_863 = arith.constant 0 : i32
    %lt3A_864 = vector.broadcast %lt3A_863 : i32 to vector<16xi32>
    %lt3A_865 = arith.cmpi slt, %xor3A_862, %lt3A_864 : vector<16xi32>
    %add3A_866 = arith.constant 16 : i32
    %add3A_867 = vector.broadcast %add3A_866 : i32 to vector<16xi32>
    %add3A_868 = arith.addi %xor3A_862, %add3A_867 : vector<16xi32>
    %select_n3A_869 = arith.select %lt3A_865, %add3A_868, %xor3A_862 : vector<16xi1>, vector<16xi32>
    %broadcast_in_dim3A_870 = vector.shape_cast %select_n3A_869 : vector<16xi32> to vector<16x1xi32>
    %gather3A_871 = vector.shape_cast %broadcast_in_dim3A_870 : vector<16x1xi32> to vector<16xi32>
    %gather3A_872 = tpu.dynamic_gather %add3A_859[%gather3A_871] in [0] : vector<16xf32>, vector<16xi32> -> vector<16xf32>
    %add3A_873 = arith.addf %add3A_859, %gather3A_872 : vector<16xf32>
    %xor3A_874 = arith.constant 4 : i32
    %xor3A_875 = vector.broadcast %xor3A_874 : i32 to vector<16xi32>
    %xor3A_876 = arith.xori %iota3A_498, %xor3A_875 : vector<16xi32>
    %lt3A_877 = arith.constant 0 : i32
    %lt3A_878 = vector.broadcast %lt3A_877 : i32 to vector<16xi32>
    %lt3A_879 = arith.cmpi slt, %xor3A_876, %lt3A_878 : vector<16xi32>
    %add3A_880 = arith.constant 16 : i32
    %add3A_881 = vector.broadcast %add3A_880 : i32 to vector<16xi32>
    %add3A_882 = arith.addi %xor3A_876, %add3A_881 : vector<16xi32>
    %select_n3A_883 = arith.select %lt3A_879, %add3A_882, %xor3A_876 : vector<16xi1>, vector<16xi32>
    %broadcast_in_dim3A_884 = vector.shape_cast %select_n3A_883 : vector<16xi32> to vector<16x1xi32>
    %gather3A_885 = vector.shape_cast %broadcast_in_dim3A_884 : vector<16x1xi32> to vector<16xi32>
    %gather3A_886 = tpu.dynamic_gather %add3A_873[%gather3A_885] in [0] : vector<16xf32>, vector<16xi32> -> vector<16xf32>
    %add3A_887 = arith.addf %add3A_873, %gather3A_886 : vector<16xf32>
    %xor3A_888 = arith.constant 8 : i32
    %xor3A_889 = vector.broadcast %xor3A_888 : i32 to vector<16xi32>
    %xor3A_890 = arith.xori %iota3A_498, %xor3A_889 : vector<16xi32>
    %lt3A_891 = arith.constant 0 : i32
    %lt3A_892 = vector.broadcast %lt3A_891 : i32 to vector<16xi32>
    %lt3A_893 = arith.cmpi slt, %xor3A_890, %lt3A_892 : vector<16xi32>
    %add3A_894 = arith.constant 16 : i32
    %add3A_895 = vector.broadcast %add3A_894 : i32 to vector<16xi32>
    %add3A_896 = arith.addi %xor3A_890, %add3A_895 : vector<16xi32>
    %select_n3A_897 = arith.select %lt3A_893, %add3A_896, %xor3A_890 : vector<16xi1>, vector<16xi32>
    %broadcast_in_dim3A_898 = vector.shape_cast %select_n3A_897 : vector<16xi32> to vector<16x1xi32>
    %gather3A_899 = vector.shape_cast %broadcast_in_dim3A_898 : vector<16x1xi32> to vector<16xi32>
    %gather3A_900 = tpu.dynamic_gather %add3A_887[%gather3A_899] in [0] : vector<16xf32>, vector<16xi32> -> vector<16xf32>
    %add3A_901 = arith.addf %add3A_887, %gather3A_900 : vector<16xf32>
    %gt3A_902 = arith.constant 0.000000e+00 : f32
    %gt3A_903 = vector.broadcast %gt3A_902 : f32 to vector<16xf32>
    %gt3A_904 = arith.cmpf ogt, %add3A_901, %gt3A_903 : vector<16xf32>
    %max3A_905 = arith.constant 1.000000e+00 : f32
    %max3A_906 = vector.broadcast %max3A_905 : f32 to vector<16xf32>
    %max3A_907 = arith.maximumf %add3A_901, %max3A_906 : vector<16xf32>
    %div3A_908 = arith.divf %max3A_845, %max3A_907 : vector<16xf32>
    %ge3A_909 = arith.constant 0.000000e+00 : f32
    %ge3A_910 = vector.broadcast %ge3A_909 : f32 to vector<16xf32>
    %ge3A_911 = arith.cmpf oge, %div3A_908, %ge3A_910 : vector<16xf32>
    %and3A_912 = arith.andi %gt3A_904, %ge3A_911 : vector<16xi1>
    %jit3A_913 = arith.constant -1.000000e+00 : f32
    %broadcast_in_dim3A_914 = vector.broadcast %jit3A_913 : f32 to vector<16xf32>
    %select_n3A_915 = arith.select %and3A_912, %max3A_786, %broadcast_in_dim3A_914 : vector<16xi1>, vector<16xf32>
    %eq3A_916 = arith.cmpf oeq, %get3A_501, %max3A_786 : vector<16xf32>
    %and3A_917 = arith.andi %eq3A_916, %lt3A_507 : vector<16xi1>
    %jit3A_918 = arith.constant 0xFF800000 : f32
    %broadcast_in_dim3A_919 = vector.broadcast %jit3A_918 : f32 to vector<16xf32>
    %select_n3A_920 = arith.select %and3A_917, %get3A_504, %broadcast_in_dim3A_919 : vector<16xi1>, vector<16xf32>
    %xor3A_921 = arith.constant 1 : i32
    %xor3A_922 = vector.broadcast %xor3A_921 : i32 to vector<16xi32>
    %xor3A_923 = arith.xori %iota3A_498, %xor3A_922 : vector<16xi32>
    %lt3A_924 = arith.constant 0 : i32
    %lt3A_925 = vector.broadcast %lt3A_924 : i32 to vector<16xi32>
    %lt3A_926 = arith.cmpi slt, %xor3A_923, %lt3A_925 : vector<16xi32>
    %add3A_927 = arith.constant 16 : i32
    %add3A_928 = vector.broadcast %add3A_927 : i32 to vector<16xi32>
    %add3A_929 = arith.addi %xor3A_923, %add3A_928 : vector<16xi32>
    %select_n3A_930 = arith.select %lt3A_926, %add3A_929, %xor3A_923 : vector<16xi1>, vector<16xi32>
    %broadcast_in_dim3A_931 = vector.shape_cast %select_n3A_930 : vector<16xi32> to vector<16x1xi32>
    %gather3A_932 = vector.shape_cast %broadcast_in_dim3A_931 : vector<16x1xi32> to vector<16xi32>
    %gather3A_933 = tpu.dynamic_gather %select_n3A_920[%gather3A_932] in [0] : vector<16xf32>, vector<16xi32> -> vector<16xf32>
    %max3A_934 = arith.maximumf %select_n3A_920, %gather3A_933 : vector<16xf32>
    %xor3A_935 = arith.constant 2 : i32
    %xor3A_936 = vector.broadcast %xor3A_935 : i32 to vector<16xi32>
    %xor3A_937 = arith.xori %iota3A_498, %xor3A_936 : vector<16xi32>
    %lt3A_938 = arith.constant 0 : i32
    %lt3A_939 = vector.broadcast %lt3A_938 : i32 to vector<16xi32>
    %lt3A_940 = arith.cmpi slt, %xor3A_937, %lt3A_939 : vector<16xi32>
    %add3A_941 = arith.constant 16 : i32
    %add3A_942 = vector.broadcast %add3A_941 : i32 to vector<16xi32>
    %add3A_943 = arith.addi %xor3A_937, %add3A_942 : vector<16xi32>
    %select_n3A_944 = arith.select %lt3A_940, %add3A_943, %xor3A_937 : vector<16xi1>, vector<16xi32>
    %broadcast_in_dim3A_945 = vector.shape_cast %select_n3A_944 : vector<16xi32> to vector<16x1xi32>
    %gather3A_946 = vector.shape_cast %broadcast_in_dim3A_945 : vector<16x1xi32> to vector<16xi32>
    %gather3A_947 = tpu.dynamic_gather %max3A_934[%gather3A_946] in [0] : vector<16xf32>, vector<16xi32> -> vector<16xf32>
    %max3A_948 = arith.maximumf %max3A_934, %gather3A_947 : vector<16xf32>
    %xor3A_949 = arith.constant 4 : i32
    %xor3A_950 = vector.broadcast %xor3A_949 : i32 to vector<16xi32>
    %xor3A_951 = arith.xori %iota3A_498, %xor3A_950 : vector<16xi32>
    %lt3A_952 = arith.constant 0 : i32
    %lt3A_953 = vector.broadcast %lt3A_952 : i32 to vector<16xi32>
    %lt3A_954 = arith.cmpi slt, %xor3A_951, %lt3A_953 : vector<16xi32>
    %add3A_955 = arith.constant 16 : i32
    %add3A_956 = vector.broadcast %add3A_955 : i32 to vector<16xi32>
    %add3A_957 = arith.addi %xor3A_951, %add3A_956 : vector<16xi32>
    %select_n3A_958 = arith.select %lt3A_954, %add3A_957, %xor3A_951 : vector<16xi1>, vector<16xi32>
    %broadcast_in_dim3A_959 = vector.shape_cast %select_n3A_958 : vector<16xi32> to vector<16x1xi32>
    %gather3A_960 = vector.shape_cast %broadcast_in_dim3A_959 : vector<16x1xi32> to vector<16xi32>
    %gather3A_961 = tpu.dynamic_gather %max3A_948[%gather3A_960] in [0] : vector<16xf32>, vector<16xi32> -> vector<16xf32>
    %max3A_962 = arith.maximumf %max3A_948, %gather3A_961 : vector<16xf32>
    %xor3A_963 = arith.constant 8 : i32
    %xor3A_964 = vector.broadcast %xor3A_963 : i32 to vector<16xi32>
    %xor3A_965 = arith.xori %iota3A_498, %xor3A_964 : vector<16xi32>
    %lt3A_966 = arith.constant 0 : i32
    %lt3A_967 = vector.broadcast %lt3A_966 : i32 to vector<16xi32>
    %lt3A_968 = arith.cmpi slt, %xor3A_965, %lt3A_967 : vector<16xi32>
    %add3A_969 = arith.constant 16 : i32
    %add3A_970 = vector.broadcast %add3A_969 : i32 to vector<16xi32>
    %add3A_971 = arith.addi %xor3A_965, %add3A_970 : vector<16xi32>
    %select_n3A_972 = arith.select %lt3A_968, %add3A_971, %xor3A_965 : vector<16xi1>, vector<16xi32>
    %broadcast_in_dim3A_973 = vector.shape_cast %select_n3A_972 : vector<16xi32> to vector<16x1xi32>
    %gather3A_974 = vector.shape_cast %broadcast_in_dim3A_973 : vector<16x1xi32> to vector<16xi32>
    %gather3A_975 = tpu.dynamic_gather %max3A_962[%gather3A_974] in [0] : vector<16xf32>, vector<16xi32> -> vector<16xf32>
    %max3A_976 = arith.maximumf %max3A_962, %gather3A_975 : vector<16xf32>
    %jit3A_977 = arith.constant 0.000000e+00 : f32
    %broadcast_in_dim3A_978 = vector.broadcast %jit3A_977 : f32 to vector<16xf32>
    %select_n3A_979 = arith.select %and3A_912, %max3A_976, %broadcast_in_dim3A_978 : vector<16xi1>, vector<16xf32>
    %eq3A_980 = arith.constant 0 : i32
    %eq3A_981 = vector.broadcast %eq3A_980 : i32 to vector<16xi32>
    %eq3A_982 = arith.cmpi eq, %iota3A_498, %eq3A_981 : vector<16xi32>
    %jit3A_983 = arith.constant 0.000000e+00 : f32
    %broadcast_in_dim3A_984 = vector.broadcast %jit3A_983 : f32 to vector<16xf32>
    %select_n3A_985 = arith.select %eq3A_982, %select_n3A_979, %broadcast_in_dim3A_984 : vector<16xi1>, vector<16xf32>
    %swap3A_986 = arith.constant 0 : index
    %swap3A_987 = tpu.vector_load %arg10[%swap3A_986] {strides = array<i32>} : memref<16xf32, #tpu.memory_space<vmem>>, vector<16xf32>,
    %swap3A_988 = vector.shape_cast %swap3A_987 : vector<16xf32> to vector<16xf32>
    %swap3A_989 = vector.shape_cast %select_n3A_985 : vector<16xf32> to vector<16xf32>
    tpu.vector_store %arg10[%swap3A_986], %swap3A_989 {strides = array<i32>} : memref<16xf32, #tpu.memory_space<vmem>>, vector<16xf32>,
    %jit3A_990 = arith.constant 0.000000e+00 : f32
    %broadcast_in_dim3A_991 = vector.broadcast %jit3A_990 : f32 to vector<16xf32>
    %select_n3A_992 = arith.select %eq3A_982, %select_n3A_915, %broadcast_in_dim3A_991 : vector<16xi1>, vector<16xf32>
    %convert_element_type3A_993 = arith.fptosi %select_n3A_992 : vector<16xf32> to vector<16xi32>
    %swap3A_994 = arith.constant 0 : index
    %swap3A_995 = tpu.vector_load %arg11[%swap3A_994] {strides = array<i32>} : memref<16xi32, #tpu.memory_space<vmem>>, vector<16xi32>,
    %swap3A_996 = vector.shape_cast %swap3A_995 : vector<16xi32> to vector<16xi32>
    %swap3A_997 = vector.shape_cast %convert_element_type3A_993 : vector<16xi32> to vector<16xi32>
    tpu.vector_store %arg11[%swap3A_994], %swap3A_997 {strides = array<i32>} : memref<16xi32, #tpu.memory_space<vmem>>, vector<16xi32>,
    "tpu.region"() ({
      %run_scoped3A = tpu.sem_alloc : memref<!tpu.dma_semaphore, #tpu.memory_space<semaphore_mem>>
      %dma_start3A_998 = arith.constant 0 : i32
      %dma_start3A_999 = tpu.memref_slice %arg5[%add3A_493, %dma_start3A_998] : memref<64x16xf32, #tpu.memory_space<hbm>> -> memref<1x16xf32, #tpu.memory_space<hbm>>
      %dma_start3A_1000 = tpu.memref_squeeze %dma_start3A_999 : memref<1x16xf32, #tpu.memory_space<hbm>> -> memref<16xf32, #tpu.memory_space<hbm>>
      %dma_start3A_1001 = arith.constant 0 : i32
      %dma_start3A_1002 = tpu.memref_slice %arg5[%add3A_493, %dma_start3A_1001] : memref<64x16xf32, #tpu.memory_space<hbm>> -> memref<1x16xf32, #tpu.memory_space<hbm>>
      %dma_start3A_1003 = tpu.memref_squeeze %dma_start3A_1002 : memref<1x16xf32, #tpu.memory_space<hbm>> -> memref<16xf32, #tpu.memory_space<hbm>>
      tpu.enqueue_dma source(%arg10 : memref<16xf32, #tpu.memory_space<vmem>>) target(%dma_start3A_1003 : memref<16xf32, #tpu.memory_space<hbm>>) target_semaphore(%run_scoped3A : memref<!tpu.dma_semaphore, #tpu.memory_space<semaphore_mem>>)
      %dma_wait3A_1004 = arith.constant 0 : i32
      %dma_wait3A_1005 = tpu.memref_slice %arg5[%add3A_493, %dma_wait3A_1004] : memref<64x16xf32, #tpu.memory_space<hbm>> -> memref<1x16xf32, #tpu.memory_space<hbm>>
      %dma_wait3A_1006 = tpu.memref_squeeze %dma_wait3A_1005 : memref<1x16xf32, #tpu.memory_space<hbm>> -> memref<16xf32, #tpu.memory_space<hbm>>
      %dma_wait3A_1007 = arith.constant 0 : i32
      %dma_wait3A_1008 = tpu.memref_slice %arg5[%add3A_493, %dma_wait3A_1007] : memref<64x16xf32, #tpu.memory_space<hbm>> -> memref<1x16xf32, #tpu.memory_space<hbm>>
      %dma_wait3A_1009 = tpu.memref_squeeze %dma_wait3A_1008 : memref<1x16xf32, #tpu.memory_space<hbm>> -> memref<16xf32, #tpu.memory_space<hbm>>
      tpu.wait_dma2 semaphore(%run_scoped3A : memref<!tpu.dma_semaphore, #tpu.memory_space<semaphore_mem>>) src(%arg10 : memref<16xf32, #tpu.memory_space<vmem>>) dst(%dma_wait3A_1009 : memref<16xf32, #tpu.memory_space<hbm>>)
      tpu.yield
    }) : () -> ()
    "tpu.region"() ({
      %run_scoped3A = tpu.sem_alloc : memref<!tpu.dma_semaphore, #tpu.memory_space<semaphore_mem>>
      %dma_start3A_998 = arith.constant 0 : i32
      %dma_start3A_999 = tpu.memref_slice %arg6[%add3A_493, %dma_start3A_998] : memref<64x16xi32, #tpu.memory_space<hbm>> -> memref<1x16xi32, #tpu.memory_space<hbm>>
      %dma_start3A_1000 = tpu.memref_squeeze %dma_start3A_999 : memref<1x16xi32, #tpu.memory_space<hbm>> -> memref<16xi32, #tpu.memory_space<hbm>>
      %dma_start3A_1001 = arith.constant 0 : i32
      %dma_start3A_1002 = tpu.memref_slice %arg6[%add3A_493, %dma_start3A_1001] : memref<64x16xi32, #tpu.memory_space<hbm>> -> memref<1x16xi32, #tpu.memory_space<hbm>>
      %dma_start3A_1003 = tpu.memref_squeeze %dma_start3A_1002 : memref<1x16xi32, #tpu.memory_space<hbm>> -> memref<16xi32, #tpu.memory_space<hbm>>
      tpu.enqueue_dma source(%arg11 : memref<16xi32, #tpu.memory_space<vmem>>) target(%dma_start3A_1003 : memref<16xi32, #tpu.memory_space<hbm>>) target_semaphore(%run_scoped3A : memref<!tpu.dma_semaphore, #tpu.memory_space<semaphore_mem>>)
      %dma_wait3A_1004 = arith.constant 0 : i32
      %dma_wait3A_1005 = tpu.memref_slice %arg6[%add3A_493, %dma_wait3A_1004] : memref<64x16xi32, #tpu.memory_space<hbm>> -> memref<1x16xi32, #tpu.memory_space<hbm>>
      %dma_wait3A_1006 = tpu.memref_squeeze %dma_wait3A_1005 : memref<1x16xi32, #tpu.memory_space<hbm>> -> memref<16xi32, #tpu.memory_space<hbm>>
      %dma_wait3A_1007 = arith.constant 0 : i32
      %dma_wait3A_1008 = tpu.memref_slice %arg6[%add3A_493, %dma_wait3A_1007] : memref<64x16xi32, #tpu.memory_space<hbm>> -> memref<1x16xi32, #tpu.memory_space<hbm>>
      %dma_wait3A_1009 = tpu.memref_squeeze %dma_wait3A_1008 : memref<1x16xi32, #tpu.memory_space<hbm>> -> memref<16xi32, #tpu.memory_space<hbm>>
      tpu.wait_dma2 semaphore(%run_scoped3A : memref<!tpu.dma_semaphore, #tpu.memory_space<semaphore_mem>>) src(%arg11 : memref<16xi32, #tpu.memory_space<vmem>>) dst(%dma_wait3A_1009 : memref<16xi32, #tpu.memory_space<hbm>>)
      tpu.yield
    }) : () -> ()
    return
  }
}

module attributes {stable_mosaic.version = 14 : i64} {
  func.func @_tc_body(%arg0: i32, %arg1: memref<64x64xf32, #tpu.memory_space<vmem>>, %arg2: memref<20000x65xf32, #tpu.memory_space<vmem>>, %arg3: memref<64x128xf32, #tpu.memory_space<vmem>>, %arg4: memref<64x128xi32, #tpu.memory_space<vmem>>, %arg5: memref<64x128xf32, #tpu.memory_space<vmem>>, %arg6: memref<64x128xf32, #tpu.memory_space<vmem>>) attributes {dimension_semantics = [#tpu.dimension_semantics<arbitrary>], iteration_bounds = array<i64: 5>, scalar_prefetch = 0 : i64, scratch_operands = 2 : i64, tpu.core_type = #tpu.core_type<tc>, window_params = [{pipeline_mode = #tpu.pipeline_mode<synchronous>, transform_indices = @transform_0, window_bounds = array<i64: 64, 64>}, {transform_indices = @transform_1, window_bounds = array<i64: 20000, 65>}, {pipeline_mode = #tpu.pipeline_mode<synchronous>, transform_indices = @transform_2, window_bounds = array<i64: 64, 128>}, {pipeline_mode = #tpu.pipeline_mode<synchronous>, transform_indices = @transform_3, window_bounds = array<i64: 64, 128>}]} {
    %eq3A = arith.constant 0 : i32
    %eq3A_0 = arith.cmpi eq, %arg0, %eq3A : i32
    %convert_element_type3A = arith.extui %eq3A_0 : i1 to i32
    %cond3A = arith.constant 0 : i32
    %cond3A_1 = arith.cmpi ne, %convert_element_type3A, %cond3A : i32
    scf.if %cond3A_1 {
      %broadcast_in_dim3A_208 = arith.constant 0xFF800000 : f32
      %broadcast_in_dim3A_209 = vector.broadcast %broadcast_in_dim3A_208 : f32 to vector<64x128xf32>
      %swap3A_210 = arith.constant 0 : index
      %swap3A_211 = arith.constant 0 : index
      %swap3A_212 = vector.load %arg5[%swap3A_210, %swap3A_211] : memref<64x128xf32, #tpu.memory_space<vmem>>, vector<64x128xf32>
      tpu.vector_store %arg5[%swap3A_210, %swap3A_211], %broadcast_in_dim3A_209 {strides = array<i32>} : memref<64x128xf32, #tpu.memory_space<vmem>>, vector<64x128xf32>,
      %broadcast_in_dim3A_213 = arith.constant 1.000000e+09 : f32
      %broadcast_in_dim3A_214 = vector.broadcast %broadcast_in_dim3A_213 : f32 to vector<64x128xf32>
      %swap3A_215 = arith.constant 0 : index
      %swap3A_216 = arith.constant 0 : index
      %swap3A_217 = vector.load %arg6[%swap3A_215, %swap3A_216] : memref<64x128xf32, #tpu.memory_space<vmem>>, vector<64x128xf32>
      tpu.vector_store %arg6[%swap3A_215, %swap3A_216], %broadcast_in_dim3A_214 {strides = array<i32>} : memref<64x128xf32, #tpu.memory_space<vmem>>, vector<64x128xf32>,
    } else {
    }
    %get3A = arith.constant 0 : index
    %get3A_2 = arith.constant 0 : index
    %get3A_3 = vector.load %arg1[%get3A, %get3A_2] : memref<64x64xf32, #tpu.memory_space<vmem>>, vector<64x64xf32>
    %get3A_4 = arith.constant 0 : index
    %get3A_5 = arith.constant 0 : index
    %get3A_6 = vector.load %arg2[%get3A_4, %get3A_5] : memref<20000x65xf32, #tpu.memory_space<vmem>>, vector<20000x64xf32>
    %dot_general3A = arith.constant dense<0.000000e+00> : vector<64x20000xf32>
    %dot_general3A_7 = tpu.matmul %get3A_3, %get3A_6, %dot_general3A {dimension_numbers = #tpu.dot_dimension_numbers<[1], [1], [0], [0], [0, 0, 1, 0], [], []>, transpose_lhs_hint = false} : vector<64x64xf32>, vector<20000x64xf32>, vector<64x20000xf32> -> vector<64x20000xf32>
    %iota3A = tpu.iota {dimensions = array<i32: 1>} : vector<64x20000xi32>
    %iota3A_8 = tpu.iota {dimensions = array<i32: 1>} : vector<64x128xi32>
    %get3A_9 = arith.constant 0 : index
    %get3A_10 = arith.constant 0 : index
    %get3A_11 = vector.load %arg5[%get3A_9, %get3A_10] : memref<64x128xf32, #tpu.memory_space<vmem>>, vector<64x128xf32>
    %get3A_12 = arith.constant 0 : index
    %get3A_13 = arith.constant 0 : index
    %get3A_14 = vector.load %arg6[%get3A_12, %get3A_13] : memref<64x128xf32, #tpu.memory_space<vmem>>, vector<64x128xf32>
    %reduce_max3A = arith.constant dense<0xFF800000> : vector<64xf32>
    %reduce_max3A_15 = vector.multi_reduction <maximumf>, %dot_general3A_7, %reduce_max3A [1] : vector<64x20000xf32> to vector<64xf32>
    %broadcast_in_dim3A = vector.shape_cast %reduce_max3A_15 : vector<64xf32> to vector<64x1xf32>
    %eq3A_16 = vector.broadcast %broadcast_in_dim3A : vector<64x1xf32> to vector<64x20000xf32>
    %eq3A_17 = arith.cmpf oeq, %dot_general3A_7, %eq3A_16 : vector<64x20000xf32>
    %jit3A = arith.constant 1073741824 : i32
    %broadcast_in_dim3A_18 = vector.broadcast %jit3A : i32 to vector<64x20000xi32>
    %select_n3A = arith.select %eq3A_17, %iota3A, %broadcast_in_dim3A_18 : vector<64x20000xi1>, vector<64x20000xi32>
    %reduce_min3A = arith.constant dense<2147483647> : vector<64xi32>
    %reduce_min3A_19 = vector.multi_reduction <minsi>, %select_n3A, %reduce_min3A [1] : vector<64x20000xi32> to vector<64xi32>
    %broadcast_in_dim3A_20 = vector.shape_cast %reduce_min3A_19 : vector<64xi32> to vector<64x1xi32>
    %mul3A = arith.constant 20000 : i32
    %mul3A_21 = arith.muli %arg0, %mul3A : i32
    %add3A = vector.broadcast %mul3A_21 : i32 to vector<64x1xi32>
    %add3A_22 = arith.addi %broadcast_in_dim3A_20, %add3A : vector<64x1xi32>
    %convert_element_type3A_23 = arith.sitofp %add3A_22 : vector<64x1xi32> to vector<64x1xf32>
    %mul3A_24 = arith.constant 5 : i32
    %mul3A_25 = arith.muli %arg0, %mul3A_24 : i32
    %add3A_26 = arith.constant 0 : i32
    %add3A_27 = arith.addi %mul3A_25, %add3A_26 : i32
    %eq3A_28 = vector.broadcast %add3A_27 : i32 to vector<64x128xi32>
    %eq3A_29 = arith.cmpi eq, %iota3A_8, %eq3A_28 : vector<64x128xi32>
    %broadcast_in_dim3A_30 = vector.shape_cast %broadcast_in_dim3A : vector<64x1xf32> to vector<64x1xf32>
    %broadcast_in_dim3A_31 = vector.broadcast %broadcast_in_dim3A_30 : vector<64x1xf32> to vector<64x128xf32>
    %select_n3A_32 = arith.select %eq3A_29, %broadcast_in_dim3A_31, %get3A_11 : vector<64x128xi1>, vector<64x128xf32>
    %mul3A_33 = arith.constant 5 : i32
    %mul3A_34 = arith.muli %arg0, %mul3A_33 : i32
    %add3A_35 = arith.constant 0 : i32
    %add3A_36 = arith.addi %mul3A_34, %add3A_35 : i32
    %eq3A_37 = vector.broadcast %add3A_36 : i32 to vector<64x128xi32>
    %eq3A_38 = arith.cmpi eq, %iota3A_8, %eq3A_37 : vector<64x128xi32>
    %broadcast_in_dim3A_39 = vector.shape_cast %convert_element_type3A_23 : vector<64x1xf32> to vector<64x1xf32>
    %broadcast_in_dim3A_40 = vector.broadcast %broadcast_in_dim3A_39 : vector<64x1xf32> to vector<64x128xf32>
    %select_n3A_41 = arith.select %eq3A_38, %broadcast_in_dim3A_40, %get3A_14 : vector<64x128xi1>, vector<64x128xf32>
    %eq3A_42 = vector.broadcast %broadcast_in_dim3A_20 : vector<64x1xi32> to vector<64x20000xi32>
    %eq3A_43 = arith.cmpi eq, %iota3A, %eq3A_42 : vector<64x20000xi32>
    %jit3A_44 = arith.constant 0xFF800000 : f32
    %broadcast_in_dim3A_45 = vector.broadcast %jit3A_44 : f32 to vector<64x20000xf32>
    %select_n3A_46 = arith.select %eq3A_43, %broadcast_in_dim3A_45, %dot_general3A_7 : vector<64x20000xi1>, vector<64x20000xf32>
    %reduce_max3A_47 = arith.constant dense<0xFF800000> : vector<64xf32>
    %reduce_max3A_48 = vector.multi_reduction <maximumf>, %select_n3A_46, %reduce_max3A_47 [1] : vector<64x20000xf32> to vector<64xf32>
    %broadcast_in_dim3A_49 = vector.shape_cast %reduce_max3A_48 : vector<64xf32> to vector<64x1xf32>
    %eq3A_50 = vector.broadcast %broadcast_in_dim3A_49 : vector<64x1xf32> to vector<64x20000xf32>
    %eq3A_51 = arith.cmpf oeq, %select_n3A_46, %eq3A_50 : vector<64x20000xf32>
    %jit3A_52 = arith.constant 1073741824 : i32
    %broadcast_in_dim3A_53 = vector.broadcast %jit3A_52 : i32 to vector<64x20000xi32>
    %select_n3A_54 = arith.select %eq3A_51, %iota3A, %broadcast_in_dim3A_53 : vector<64x20000xi1>, vector<64x20000xi32>
    %reduce_min3A_55 = arith.constant dense<2147483647> : vector<64xi32>
    %reduce_min3A_56 = vector.multi_reduction <minsi>, %select_n3A_54, %reduce_min3A_55 [1] : vector<64x20000xi32> to vector<64xi32>
    %broadcast_in_dim3A_57 = vector.shape_cast %reduce_min3A_56 : vector<64xi32> to vector<64x1xi32>
    %mul3A_58 = arith.constant 20000 : i32
    %mul3A_59 = arith.muli %arg0, %mul3A_58 : i32
    %add3A_60 = vector.broadcast %mul3A_59 : i32 to vector<64x1xi32>
    %add3A_61 = arith.addi %broadcast_in_dim3A_57, %add3A_60 : vector<64x1xi32>
    %convert_element_type3A_62 = arith.sitofp %add3A_61 : vector<64x1xi32> to vector<64x1xf32>
    %mul3A_63 = arith.constant 5 : i32
    %mul3A_64 = arith.muli %arg0, %mul3A_63 : i32
    %add3A_65 = arith.constant 1 : i32
    %add3A_66 = arith.addi %mul3A_64, %add3A_65 : i32
    %eq3A_67 = vector.broadcast %add3A_66 : i32 to vector<64x128xi32>
    %eq3A_68 = arith.cmpi eq, %iota3A_8, %eq3A_67 : vector<64x128xi32>
    %broadcast_in_dim3A_69 = vector.shape_cast %broadcast_in_dim3A_49 : vector<64x1xf32> to vector<64x1xf32>
    %broadcast_in_dim3A_70 = vector.broadcast %broadcast_in_dim3A_69 : vector<64x1xf32> to vector<64x128xf32>
    %select_n3A_71 = arith.select %eq3A_68, %broadcast_in_dim3A_70, %select_n3A_32 : vector<64x128xi1>, vector<64x128xf32>
    %mul3A_72 = arith.constant 5 : i32
    %mul3A_73 = arith.muli %arg0, %mul3A_72 : i32
    %add3A_74 = arith.constant 1 : i32
    %add3A_75 = arith.addi %mul3A_73, %add3A_74 : i32
    %eq3A_76 = vector.broadcast %add3A_75 : i32 to vector<64x128xi32>
    %eq3A_77 = arith.cmpi eq, %iota3A_8, %eq3A_76 : vector<64x128xi32>
    %broadcast_in_dim3A_78 = vector.shape_cast %convert_element_type3A_62 : vector<64x1xf32> to vector<64x1xf32>
    %broadcast_in_dim3A_79 = vector.broadcast %broadcast_in_dim3A_78 : vector<64x1xf32> to vector<64x128xf32>
    %select_n3A_80 = arith.select %eq3A_77, %broadcast_in_dim3A_79, %select_n3A_41 : vector<64x128xi1>, vector<64x128xf32>
    %eq3A_81 = vector.broadcast %broadcast_in_dim3A_57 : vector<64x1xi32> to vector<64x20000xi32>
    %eq3A_82 = arith.cmpi eq, %iota3A, %eq3A_81 : vector<64x20000xi32>
    %jit3A_83 = arith.constant 0xFF800000 : f32
    %broadcast_in_dim3A_84 = vector.broadcast %jit3A_83 : f32 to vector<64x20000xf32>
    %select_n3A_85 = arith.select %eq3A_82, %broadcast_in_dim3A_84, %select_n3A_46 : vector<64x20000xi1>, vector<64x20000xf32>
    %reduce_max3A_86 = arith.constant dense<0xFF800000> : vector<64xf32>
    %reduce_max3A_87 = vector.multi_reduction <maximumf>, %select_n3A_85, %reduce_max3A_86 [1] : vector<64x20000xf32> to vector<64xf32>
    %broadcast_in_dim3A_88 = vector.shape_cast %reduce_max3A_87 : vector<64xf32> to vector<64x1xf32>
    %eq3A_89 = vector.broadcast %broadcast_in_dim3A_88 : vector<64x1xf32> to vector<64x20000xf32>
    %eq3A_90 = arith.cmpf oeq, %select_n3A_85, %eq3A_89 : vector<64x20000xf32>
    %jit3A_91 = arith.constant 1073741824 : i32
    %broadcast_in_dim3A_92 = vector.broadcast %jit3A_91 : i32 to vector<64x20000xi32>
    %select_n3A_93 = arith.select %eq3A_90, %iota3A, %broadcast_in_dim3A_92 : vector<64x20000xi1>, vector<64x20000xi32>
    %reduce_min3A_94 = arith.constant dense<2147483647> : vector<64xi32>
    %reduce_min3A_95 = vector.multi_reduction <minsi>, %select_n3A_93, %reduce_min3A_94 [1] : vector<64x20000xi32> to vector<64xi32>
    %broadcast_in_dim3A_96 = vector.shape_cast %reduce_min3A_95 : vector<64xi32> to vector<64x1xi32>
    %mul3A_97 = arith.constant 20000 : i32
    %mul3A_98 = arith.muli %arg0, %mul3A_97 : i32
    %add3A_99 = vector.broadcast %mul3A_98 : i32 to vector<64x1xi32>
    %add3A_100 = arith.addi %broadcast_in_dim3A_96, %add3A_99 : vector<64x1xi32>
    %convert_element_type3A_101 = arith.sitofp %add3A_100 : vector<64x1xi32> to vector<64x1xf32>
    %mul3A_102 = arith.constant 5 : i32
    %mul3A_103 = arith.muli %arg0, %mul3A_102 : i32
    %add3A_104 = arith.constant 2 : i32
    %add3A_105 = arith.addi %mul3A_103, %add3A_104 : i32
    %eq3A_106 = vector.broadcast %add3A_105 : i32 to vector<64x128xi32>
    %eq3A_107 = arith.cmpi eq, %iota3A_8, %eq3A_106 : vector<64x128xi32>
    %broadcast_in_dim3A_108 = vector.shape_cast %broadcast_in_dim3A_88 : vector<64x1xf32> to vector<64x1xf32>
    %broadcast_in_dim3A_109 = vector.broadcast %broadcast_in_dim3A_108 : vector<64x1xf32> to vector<64x128xf32>
    %select_n3A_110 = arith.select %eq3A_107, %broadcast_in_dim3A_109, %select_n3A_71 : vector<64x128xi1>, vector<64x128xf32>
    %mul3A_111 = arith.constant 5 : i32
    %mul3A_112 = arith.muli %arg0, %mul3A_111 : i32
    %add3A_113 = arith.constant 2 : i32
    %add3A_114 = arith.addi %mul3A_112, %add3A_113 : i32
    %eq3A_115 = vector.broadcast %add3A_114 : i32 to vector<64x128xi32>
    %eq3A_116 = arith.cmpi eq, %iota3A_8, %eq3A_115 : vector<64x128xi32>
    %broadcast_in_dim3A_117 = vector.shape_cast %convert_element_type3A_101 : vector<64x1xf32> to vector<64x1xf32>
    %broadcast_in_dim3A_118 = vector.broadcast %broadcast_in_dim3A_117 : vector<64x1xf32> to vector<64x128xf32>
    %select_n3A_119 = arith.select %eq3A_116, %broadcast_in_dim3A_118, %select_n3A_80 : vector<64x128xi1>, vector<64x128xf32>
    %eq3A_120 = vector.broadcast %broadcast_in_dim3A_96 : vector<64x1xi32> to vector<64x20000xi32>
    %eq3A_121 = arith.cmpi eq, %iota3A, %eq3A_120 : vector<64x20000xi32>
    %jit3A_122 = arith.constant 0xFF800000 : f32
    %broadcast_in_dim3A_123 = vector.broadcast %jit3A_122 : f32 to vector<64x20000xf32>
    %select_n3A_124 = arith.select %eq3A_121, %broadcast_in_dim3A_123, %select_n3A_85 : vector<64x20000xi1>, vector<64x20000xf32>
    %reduce_max3A_125 = arith.constant dense<0xFF800000> : vector<64xf32>
    %reduce_max3A_126 = vector.multi_reduction <maximumf>, %select_n3A_124, %reduce_max3A_125 [1] : vector<64x20000xf32> to vector<64xf32>
    %broadcast_in_dim3A_127 = vector.shape_cast %reduce_max3A_126 : vector<64xf32> to vector<64x1xf32>
    %eq3A_128 = vector.broadcast %broadcast_in_dim3A_127 : vector<64x1xf32> to vector<64x20000xf32>
    %eq3A_129 = arith.cmpf oeq, %select_n3A_124, %eq3A_128 : vector<64x20000xf32>
    %jit3A_130 = arith.constant 1073741824 : i32
    %broadcast_in_dim3A_131 = vector.broadcast %jit3A_130 : i32 to vector<64x20000xi32>
    %select_n3A_132 = arith.select %eq3A_129, %iota3A, %broadcast_in_dim3A_131 : vector<64x20000xi1>, vector<64x20000xi32>
    %reduce_min3A_133 = arith.constant dense<2147483647> : vector<64xi32>
    %reduce_min3A_134 = vector.multi_reduction <minsi>, %select_n3A_132, %reduce_min3A_133 [1] : vector<64x20000xi32> to vector<64xi32>
    %broadcast_in_dim3A_135 = vector.shape_cast %reduce_min3A_134 : vector<64xi32> to vector<64x1xi32>
    %mul3A_136 = arith.constant 20000 : i32
    %mul3A_137 = arith.muli %arg0, %mul3A_136 : i32
    %add3A_138 = vector.broadcast %mul3A_137 : i32 to vector<64x1xi32>
    %add3A_139 = arith.addi %broadcast_in_dim3A_135, %add3A_138 : vector<64x1xi32>
    %convert_element_type3A_140 = arith.sitofp %add3A_139 : vector<64x1xi32> to vector<64x1xf32>
    %mul3A_141 = arith.constant 5 : i32
    %mul3A_142 = arith.muli %arg0, %mul3A_141 : i32
    %add3A_143 = arith.constant 3 : i32
    %add3A_144 = arith.addi %mul3A_142, %add3A_143 : i32
    %eq3A_145 = vector.broadcast %add3A_144 : i32 to vector<64x128xi32>
    %eq3A_146 = arith.cmpi eq, %iota3A_8, %eq3A_145 : vector<64x128xi32>
    %broadcast_in_dim3A_147 = vector.shape_cast %broadcast_in_dim3A_127 : vector<64x1xf32> to vector<64x1xf32>
    %broadcast_in_dim3A_148 = vector.broadcast %broadcast_in_dim3A_147 : vector<64x1xf32> to vector<64x128xf32>
    %select_n3A_149 = arith.select %eq3A_146, %broadcast_in_dim3A_148, %select_n3A_110 : vector<64x128xi1>, vector<64x128xf32>
    %mul3A_150 = arith.constant 5 : i32
    %mul3A_151 = arith.muli %arg0, %mul3A_150 : i32
    %add3A_152 = arith.constant 3 : i32
    %add3A_153 = arith.addi %mul3A_151, %add3A_152 : i32
    %eq3A_154 = vector.broadcast %add3A_153 : i32 to vector<64x128xi32>
    %eq3A_155 = arith.cmpi eq, %iota3A_8, %eq3A_154 : vector<64x128xi32>
    %broadcast_in_dim3A_156 = vector.shape_cast %convert_element_type3A_140 : vector<64x1xf32> to vector<64x1xf32>
    %broadcast_in_dim3A_157 = vector.broadcast %broadcast_in_dim3A_156 : vector<64x1xf32> to vector<64x128xf32>
    %select_n3A_158 = arith.select %eq3A_155, %broadcast_in_dim3A_157, %select_n3A_119 : vector<64x128xi1>, vector<64x128xf32>
    %eq3A_159 = vector.broadcast %broadcast_in_dim3A_135 : vector<64x1xi32> to vector<64x20000xi32>
    %eq3A_160 = arith.cmpi eq, %iota3A, %eq3A_159 : vector<64x20000xi32>
    %jit3A_161 = arith.constant 0xFF800000 : f32
    %broadcast_in_dim3A_162 = vector.broadcast %jit3A_161 : f32 to vector<64x20000xf32>
    %select_n3A_163 = arith.select %eq3A_160, %broadcast_in_dim3A_162, %select_n3A_124 : vector<64x20000xi1>, vector<64x20000xf32>
    %reduce_max3A_164 = arith.constant dense<0xFF800000> : vector<64xf32>
    %reduce_max3A_165 = vector.multi_reduction <maximumf>, %select_n3A_163, %reduce_max3A_164 [1] : vector<64x20000xf32> to vector<64xf32>
    %broadcast_in_dim3A_166 = vector.shape_cast %reduce_max3A_165 : vector<64xf32> to vector<64x1xf32>
    %eq3A_167 = vector.broadcast %broadcast_in_dim3A_166 : vector<64x1xf32> to vector<64x20000xf32>
    %eq3A_168 = arith.cmpf oeq, %select_n3A_163, %eq3A_167 : vector<64x20000xf32>
    %jit3A_169 = arith.constant 1073741824 : i32
    %broadcast_in_dim3A_170 = vector.broadcast %jit3A_169 : i32 to vector<64x20000xi32>
    %select_n3A_171 = arith.select %eq3A_168, %iota3A, %broadcast_in_dim3A_170 : vector<64x20000xi1>, vector<64x20000xi32>
    %reduce_min3A_172 = arith.constant dense<2147483647> : vector<64xi32>
    %reduce_min3A_173 = vector.multi_reduction <minsi>, %select_n3A_171, %reduce_min3A_172 [1] : vector<64x20000xi32> to vector<64xi32>
    %broadcast_in_dim3A_174 = vector.shape_cast %reduce_min3A_173 : vector<64xi32> to vector<64x1xi32>
    %mul3A_175 = arith.constant 20000 : i32
    %mul3A_176 = arith.muli %arg0, %mul3A_175 : i32
    %add3A_177 = vector.broadcast %mul3A_176 : i32 to vector<64x1xi32>
    %add3A_178 = arith.addi %broadcast_in_dim3A_174, %add3A_177 : vector<64x1xi32>
    %convert_element_type3A_179 = arith.sitofp %add3A_178 : vector<64x1xi32> to vector<64x1xf32>
    %mul3A_180 = arith.constant 5 : i32
    %mul3A_181 = arith.muli %arg0, %mul3A_180 : i32
    %add3A_182 = arith.constant 4 : i32
    %add3A_183 = arith.addi %mul3A_181, %add3A_182 : i32
    %eq3A_184 = vector.broadcast %add3A_183 : i32 to vector<64x128xi32>
    %eq3A_185 = arith.cmpi eq, %iota3A_8, %eq3A_184 : vector<64x128xi32>
    %broadcast_in_dim3A_186 = vector.shape_cast %broadcast_in_dim3A_166 : vector<64x1xf32> to vector<64x1xf32>
    %broadcast_in_dim3A_187 = vector.broadcast %broadcast_in_dim3A_186 : vector<64x1xf32> to vector<64x128xf32>
    %select_n3A_188 = arith.select %eq3A_185, %broadcast_in_dim3A_187, %select_n3A_149 : vector<64x128xi1>, vector<64x128xf32>
    %mul3A_189 = arith.constant 5 : i32
    %mul3A_190 = arith.muli %arg0, %mul3A_189 : i32
    %add3A_191 = arith.constant 4 : i32
    %add3A_192 = arith.addi %mul3A_190, %add3A_191 : i32
    %eq3A_193 = vector.broadcast %add3A_192 : i32 to vector<64x128xi32>
    %eq3A_194 = arith.cmpi eq, %iota3A_8, %eq3A_193 : vector<64x128xi32>
    %broadcast_in_dim3A_195 = vector.shape_cast %convert_element_type3A_179 : vector<64x1xf32> to vector<64x1xf32>
    %broadcast_in_dim3A_196 = vector.broadcast %broadcast_in_dim3A_195 : vector<64x1xf32> to vector<64x128xf32>
    %select_n3A_197 = arith.select %eq3A_194, %broadcast_in_dim3A_196, %select_n3A_158 : vector<64x128xi1>, vector<64x128xf32>
    %swap3A = arith.constant 0 : index
    %swap3A_198 = arith.constant 0 : index
    %swap3A_199 = vector.load %arg5[%swap3A, %swap3A_198] : memref<64x128xf32, #tpu.memory_space<vmem>>, vector<64x128xf32>
    tpu.vector_store %arg5[%swap3A, %swap3A_198], %select_n3A_188 {strides = array<i32>} : memref<64x128xf32, #tpu.memory_space<vmem>>, vector<64x128xf32>,
    %swap3A_200 = arith.constant 0 : index
    %swap3A_201 = arith.constant 0 : index
    %swap3A_202 = vector.load %arg6[%swap3A_200, %swap3A_201] : memref<64x128xf32, #tpu.memory_space<vmem>>, vector<64x128xf32>
    tpu.vector_store %arg6[%swap3A_200, %swap3A_201], %select_n3A_197 {strides = array<i32>} : memref<64x128xf32, #tpu.memory_space<vmem>>, vector<64x128xf32>,
    %eq3A_203 = arith.constant 4 : i32
    %eq3A_204 = arith.cmpi eq, %arg0, %eq3A_203 : i32
    %convert_element_type3A_205 = arith.extui %eq3A_204 : i1 to i32
    %cond3A_206 = arith.constant 0 : i32
    %cond3A_207 = arith.cmpi ne, %convert_element_type3A_205, %cond3A_206 : i32
    scf.if %cond3A_207 {
      %broadcast_in_dim3A_208 = arith.constant 0xFF800000 : f32
      %broadcast_in_dim3A_209 = vector.broadcast %broadcast_in_dim3A_208 : f32 to vector<64x128xf32>
      %broadcast_in_dim3A_210 = arith.constant 1.000000e+09 : f32
      %broadcast_in_dim3A_211 = vector.broadcast %broadcast_in_dim3A_210 : f32 to vector<64x128xf32>
      %reduce_max3A_212 = arith.constant dense<0xFF800000> : vector<64xf32>
      %reduce_max3A_213 = vector.multi_reduction <maximumf>, %select_n3A_188, %reduce_max3A_212 [1] : vector<64x128xf32> to vector<64xf32>
      %broadcast_in_dim3A_214 = vector.shape_cast %reduce_max3A_213 : vector<64xf32> to vector<64x1xf32>
      %eq3A_215 = vector.broadcast %broadcast_in_dim3A_214 : vector<64x1xf32> to vector<64x128xf32>
      %eq3A_216 = arith.cmpf oeq, %select_n3A_188, %eq3A_215 : vector<64x128xf32>
      %jit3A_217 = arith.constant 1.000000e+09 : f32
      %broadcast_in_dim3A_218 = vector.broadcast %jit3A_217 : f32 to vector<64x128xf32>
      %select_n3A_219 = arith.select %eq3A_216, %select_n3A_197, %broadcast_in_dim3A_218 : vector<64x128xi1>, vector<64x128xf32>
      %reduce_min3A_220 = arith.constant dense<0x7F800000> : vector<64xf32>
      %reduce_min3A_221 = vector.multi_reduction <minimumf>, %select_n3A_219, %reduce_min3A_220 [1] : vector<64x128xf32> to vector<64xf32>
      %broadcast_in_dim3A_222 = vector.shape_cast %reduce_min3A_221 : vector<64xf32> to vector<64x1xf32>
      %eq3A_223 = vector.broadcast %broadcast_in_dim3A_222 : vector<64x1xf32> to vector<64x128xf32>
      %eq3A_224 = arith.cmpf oeq, %select_n3A_197, %eq3A_223 : vector<64x128xf32>
      %and3A = arith.andi %eq3A_216, %eq3A_224 : vector<64x128xi1>
      %eq3A_225 = arith.constant 0 : i32
      %eq3A_226 = vector.broadcast %eq3A_225 : i32 to vector<64x128xi32>
      %eq3A_227 = arith.cmpi eq, %iota3A_8, %eq3A_226 : vector<64x128xi32>
      %broadcast_in_dim3A_228 = vector.shape_cast %broadcast_in_dim3A_214 : vector<64x1xf32> to vector<64x1xf32>
      %broadcast_in_dim3A_229 = vector.broadcast %broadcast_in_dim3A_228 : vector<64x1xf32> to vector<64x128xf32>
      %select_n3A_230 = arith.select %eq3A_227, %broadcast_in_dim3A_229, %broadcast_in_dim3A_209 : vector<64x128xi1>, vector<64x128xf32>
      %eq3A_231 = arith.constant 0 : i32
      %eq3A_232 = vector.broadcast %eq3A_231 : i32 to vector<64x128xi32>
      %eq3A_233 = arith.cmpi eq, %iota3A_8, %eq3A_232 : vector<64x128xi32>
      %broadcast_in_dim3A_234 = vector.shape_cast %broadcast_in_dim3A_222 : vector<64x1xf32> to vector<64x1xf32>
      %broadcast_in_dim3A_235 = vector.broadcast %broadcast_in_dim3A_234 : vector<64x1xf32> to vector<64x128xf32>
      %select_n3A_236 = arith.select %eq3A_233, %broadcast_in_dim3A_235, %broadcast_in_dim3A_211 : vector<64x128xi1>, vector<64x128xf32>
      %jit3A_237 = arith.constant 0xFF800000 : f32
      %broadcast_in_dim3A_238 = vector.broadcast %jit3A_237 : f32 to vector<64x128xf32>
      %select_n3A_239 = arith.select %and3A, %broadcast_in_dim3A_238, %select_n3A_188 : vector<64x128xi1>, vector<64x128xf32>
      %reduce_max3A_240 = arith.constant dense<0xFF800000> : vector<64xf32>
      %reduce_max3A_241 = vector.multi_reduction <maximumf>, %select_n3A_239, %reduce_max3A_240 [1] : vector<64x128xf32> to vector<64xf32>
      %broadcast_in_dim3A_242 = vector.shape_cast %reduce_max3A_241 : vector<64xf32> to vector<64x1xf32>
      %eq3A_243 = vector.broadcast %broadcast_in_dim3A_242 : vector<64x1xf32> to vector<64x128xf32>
      %eq3A_244 = arith.cmpf oeq, %select_n3A_239, %eq3A_243 : vector<64x128xf32>
      %jit3A_245 = arith.constant 1.000000e+09 : f32
      %broadcast_in_dim3A_246 = vector.broadcast %jit3A_245 : f32 to vector<64x128xf32>
      %select_n3A_247 = arith.select %eq3A_244, %select_n3A_197, %broadcast_in_dim3A_246 : vector<64x128xi1>, vector<64x128xf32>
      %reduce_min3A_248 = arith.constant dense<0x7F800000> : vector<64xf32>
      %reduce_min3A_249 = vector.multi_reduction <minimumf>, %select_n3A_247, %reduce_min3A_248 [1] : vector<64x128xf32> to vector<64xf32>
      %broadcast_in_dim3A_250 = vector.shape_cast %reduce_min3A_249 : vector<64xf32> to vector<64x1xf32>
      %eq3A_251 = vector.broadcast %broadcast_in_dim3A_250 : vector<64x1xf32> to vector<64x128xf32>
      %eq3A_252 = arith.cmpf oeq, %select_n3A_197, %eq3A_251 : vector<64x128xf32>
      %and3A_253 = arith.andi %eq3A_244, %eq3A_252 : vector<64x128xi1>
      %eq3A_254 = arith.constant 1 : i32
      %eq3A_255 = vector.broadcast %eq3A_254 : i32 to vector<64x128xi32>
      %eq3A_256 = arith.cmpi eq, %iota3A_8, %eq3A_255 : vector<64x128xi32>
      %broadcast_in_dim3A_257 = vector.shape_cast %broadcast_in_dim3A_242 : vector<64x1xf32> to vector<64x1xf32>
      %broadcast_in_dim3A_258 = vector.broadcast %broadcast_in_dim3A_257 : vector<64x1xf32> to vector<64x128xf32>
      %select_n3A_259 = arith.select %eq3A_256, %broadcast_in_dim3A_258, %select_n3A_230 : vector<64x128xi1>, vector<64x128xf32>
      %eq3A_260 = arith.constant 1 : i32
      %eq3A_261 = vector.broadcast %eq3A_260 : i32 to vector<64x128xi32>
      %eq3A_262 = arith.cmpi eq, %iota3A_8, %eq3A_261 : vector<64x128xi32>
      %broadcast_in_dim3A_263 = vector.shape_cast %broadcast_in_dim3A_250 : vector<64x1xf32> to vector<64x1xf32>
      %broadcast_in_dim3A_264 = vector.broadcast %broadcast_in_dim3A_263 : vector<64x1xf32> to vector<64x128xf32>
      %select_n3A_265 = arith.select %eq3A_262, %broadcast_in_dim3A_264, %select_n3A_236 : vector<64x128xi1>, vector<64x128xf32>
      %jit3A_266 = arith.constant 0xFF800000 : f32
      %broadcast_in_dim3A_267 = vector.broadcast %jit3A_266 : f32 to vector<64x128xf32>
      %select_n3A_268 = arith.select %and3A_253, %broadcast_in_dim3A_267, %select_n3A_239 : vector<64x128xi1>, vector<64x128xf32>
      %reduce_max3A_269 = arith.constant dense<0xFF800000> : vector<64xf32>
      %reduce_max3A_270 = vector.multi_reduction <maximumf>, %select_n3A_268, %reduce_max3A_269 [1] : vector<64x128xf32> to vector<64xf32>
      %broadcast_in_dim3A_271 = vector.shape_cast %reduce_max3A_270 : vector<64xf32> to vector<64x1xf32>
      %eq3A_272 = vector.broadcast %broadcast_in_dim3A_271 : vector<64x1xf32> to vector<64x128xf32>
      %eq3A_273 = arith.cmpf oeq, %select_n3A_268, %eq3A_272 : vector<64x128xf32>
      %jit3A_274 = arith.constant 1.000000e+09 : f32
      %broadcast_in_dim3A_275 = vector.broadcast %jit3A_274 : f32 to vector<64x128xf32>
      %select_n3A_276 = arith.select %eq3A_273, %select_n3A_197, %broadcast_in_dim3A_275 : vector<64x128xi1>, vector<64x128xf32>
      %reduce_min3A_277 = arith.constant dense<0x7F800000> : vector<64xf32>
      %reduce_min3A_278 = vector.multi_reduction <minimumf>, %select_n3A_276, %reduce_min3A_277 [1] : vector<64x128xf32> to vector<64xf32>
      %broadcast_in_dim3A_279 = vector.shape_cast %reduce_min3A_278 : vector<64xf32> to vector<64x1xf32>
      %eq3A_280 = vector.broadcast %broadcast_in_dim3A_279 : vector<64x1xf32> to vector<64x128xf32>
      %eq3A_281 = arith.cmpf oeq, %select_n3A_197, %eq3A_280 : vector<64x128xf32>
      %and3A_282 = arith.andi %eq3A_273, %eq3A_281 : vector<64x128xi1>
      %eq3A_283 = arith.constant 2 : i32
      %eq3A_284 = vector.broadcast %eq3A_283 : i32 to vector<64x128xi32>
      %eq3A_285 = arith.cmpi eq, %iota3A_8, %eq3A_284 : vector<64x128xi32>
      %broadcast_in_dim3A_286 = vector.shape_cast %broadcast_in_dim3A_271 : vector<64x1xf32> to vector<64x1xf32>
      %broadcast_in_dim3A_287 = vector.broadcast %broadcast_in_dim3A_286 : vector<64x1xf32> to vector<64x128xf32>
      %select_n3A_288 = arith.select %eq3A_285, %broadcast_in_dim3A_287, %select_n3A_259 : vector<64x128xi1>, vector<64x128xf32>
      %eq3A_289 = arith.constant 2 : i32
      %eq3A_290 = vector.broadcast %eq3A_289 : i32 to vector<64x128xi32>
      %eq3A_291 = arith.cmpi eq, %iota3A_8, %eq3A_290 : vector<64x128xi32>
      %broadcast_in_dim3A_292 = vector.shape_cast %broadcast_in_dim3A_279 : vector<64x1xf32> to vector<64x1xf32>
      %broadcast_in_dim3A_293 = vector.broadcast %broadcast_in_dim3A_292 : vector<64x1xf32> to vector<64x128xf32>
      %select_n3A_294 = arith.select %eq3A_291, %broadcast_in_dim3A_293, %select_n3A_265 : vector<64x128xi1>, vector<64x128xf32>
      %jit3A_295 = arith.constant 0xFF800000 : f32
      %broadcast_in_dim3A_296 = vector.broadcast %jit3A_295 : f32 to vector<64x128xf32>
      %select_n3A_297 = arith.select %and3A_282, %broadcast_in_dim3A_296, %select_n3A_268 : vector<64x128xi1>, vector<64x128xf32>
      %reduce_max3A_298 = arith.constant dense<0xFF800000> : vector<64xf32>
      %reduce_max3A_299 = vector.multi_reduction <maximumf>, %select_n3A_297, %reduce_max3A_298 [1] : vector<64x128xf32> to vector<64xf32>
      %broadcast_in_dim3A_300 = vector.shape_cast %reduce_max3A_299 : vector<64xf32> to vector<64x1xf32>
      %eq3A_301 = vector.broadcast %broadcast_in_dim3A_300 : vector<64x1xf32> to vector<64x128xf32>
      %eq3A_302 = arith.cmpf oeq, %select_n3A_297, %eq3A_301 : vector<64x128xf32>
      %jit3A_303 = arith.constant 1.000000e+09 : f32
      %broadcast_in_dim3A_304 = vector.broadcast %jit3A_303 : f32 to vector<64x128xf32>
      %select_n3A_305 = arith.select %eq3A_302, %select_n3A_197, %broadcast_in_dim3A_304 : vector<64x128xi1>, vector<64x128xf32>
      %reduce_min3A_306 = arith.constant dense<0x7F800000> : vector<64xf32>
      %reduce_min3A_307 = vector.multi_reduction <minimumf>, %select_n3A_305, %reduce_min3A_306 [1] : vector<64x128xf32> to vector<64xf32>
      %broadcast_in_dim3A_308 = vector.shape_cast %reduce_min3A_307 : vector<64xf32> to vector<64x1xf32>
      %eq3A_309 = vector.broadcast %broadcast_in_dim3A_308 : vector<64x1xf32> to vector<64x128xf32>
      %eq3A_310 = arith.cmpf oeq, %select_n3A_197, %eq3A_309 : vector<64x128xf32>
      %and3A_311 = arith.andi %eq3A_302, %eq3A_310 : vector<64x128xi1>
      %eq3A_312 = arith.constant 3 : i32
      %eq3A_313 = vector.broadcast %eq3A_312 : i32 to vector<64x128xi32>
      %eq3A_314 = arith.cmpi eq, %iota3A_8, %eq3A_313 : vector<64x128xi32>
      %broadcast_in_dim3A_315 = vector.shape_cast %broadcast_in_dim3A_300 : vector<64x1xf32> to vector<64x1xf32>
      %broadcast_in_dim3A_316 = vector.broadcast %broadcast_in_dim3A_315 : vector<64x1xf32> to vector<64x128xf32>
      %select_n3A_317 = arith.select %eq3A_314, %broadcast_in_dim3A_316, %select_n3A_288 : vector<64x128xi1>, vector<64x128xf32>
      %eq3A_318 = arith.constant 3 : i32
      %eq3A_319 = vector.broadcast %eq3A_318 : i32 to vector<64x128xi32>
      %eq3A_320 = arith.cmpi eq, %iota3A_8, %eq3A_319 : vector<64x128xi32>
      %broadcast_in_dim3A_321 = vector.shape_cast %broadcast_in_dim3A_308 : vector<64x1xf32> to vector<64x1xf32>
      %broadcast_in_dim3A_322 = vector.broadcast %broadcast_in_dim3A_321 : vector<64x1xf32> to vector<64x128xf32>
      %select_n3A_323 = arith.select %eq3A_320, %broadcast_in_dim3A_322, %select_n3A_294 : vector<64x128xi1>, vector<64x128xf32>
      %jit3A_324 = arith.constant 0xFF800000 : f32
      %broadcast_in_dim3A_325 = vector.broadcast %jit3A_324 : f32 to vector<64x128xf32>
      %select_n3A_326 = arith.select %and3A_311, %broadcast_in_dim3A_325, %select_n3A_297 : vector<64x128xi1>, vector<64x128xf32>
      %reduce_max3A_327 = arith.constant dense<0xFF800000> : vector<64xf32>
      %reduce_max3A_328 = vector.multi_reduction <maximumf>, %select_n3A_326, %reduce_max3A_327 [1] : vector<64x128xf32> to vector<64xf32>
      %broadcast_in_dim3A_329 = vector.shape_cast %reduce_max3A_328 : vector<64xf32> to vector<64x1xf32>
      %eq3A_330 = vector.broadcast %broadcast_in_dim3A_329 : vector<64x1xf32> to vector<64x128xf32>
      %eq3A_331 = arith.cmpf oeq, %select_n3A_326, %eq3A_330 : vector<64x128xf32>
      %jit3A_332 = arith.constant 1.000000e+09 : f32
      %broadcast_in_dim3A_333 = vector.broadcast %jit3A_332 : f32 to vector<64x128xf32>
      %select_n3A_334 = arith.select %eq3A_331, %select_n3A_197, %broadcast_in_dim3A_333 : vector<64x128xi1>, vector<64x128xf32>
      %reduce_min3A_335 = arith.constant dense<0x7F800000> : vector<64xf32>
      %reduce_min3A_336 = vector.multi_reduction <minimumf>, %select_n3A_334, %reduce_min3A_335 [1] : vector<64x128xf32> to vector<64xf32>
      %broadcast_in_dim3A_337 = vector.shape_cast %reduce_min3A_336 : vector<64xf32> to vector<64x1xf32>
      %eq3A_338 = arith.constant 4 : i32
      %eq3A_339 = vector.broadcast %eq3A_338 : i32 to vector<64x128xi32>
      %eq3A_340 = arith.cmpi eq, %iota3A_8, %eq3A_339 : vector<64x128xi32>
      %broadcast_in_dim3A_341 = vector.shape_cast %broadcast_in_dim3A_329 : vector<64x1xf32> to vector<64x1xf32>
      %broadcast_in_dim3A_342 = vector.broadcast %broadcast_in_dim3A_341 : vector<64x1xf32> to vector<64x128xf32>
      %select_n3A_343 = arith.select %eq3A_340, %broadcast_in_dim3A_342, %select_n3A_317 : vector<64x128xi1>, vector<64x128xf32>
      %eq3A_344 = arith.constant 4 : i32
      %eq3A_345 = vector.broadcast %eq3A_344 : i32 to vector<64x128xi32>
      %eq3A_346 = arith.cmpi eq, %iota3A_8, %eq3A_345 : vector<64x128xi32>
      %broadcast_in_dim3A_347 = vector.shape_cast %broadcast_in_dim3A_337 : vector<64x1xf32> to vector<64x1xf32>
      %broadcast_in_dim3A_348 = vector.broadcast %broadcast_in_dim3A_347 : vector<64x1xf32> to vector<64x128xf32>
      %select_n3A_349 = arith.select %eq3A_346, %broadcast_in_dim3A_348, %select_n3A_323 : vector<64x128xi1>, vector<64x128xf32>
      %swap3A_350 = arith.constant 0 : index
      %swap3A_351 = arith.constant 0 : index
      %swap3A_352 = vector.load %arg3[%swap3A_350, %swap3A_351] : memref<64x128xf32, #tpu.memory_space<vmem>>, vector<64x128xf32>
      tpu.vector_store %arg3[%swap3A_350, %swap3A_351], %select_n3A_343 {strides = array<i32>} : memref<64x128xf32, #tpu.memory_space<vmem>>, vector<64x128xf32>,
      %lt3A = arith.constant 5 : i32
      %lt3A_353 = vector.broadcast %lt3A : i32 to vector<64x128xi32>
      %lt3A_354 = arith.cmpi slt, %iota3A_8, %lt3A_353 : vector<64x128xi32>
      %jit3A_355 = arith.constant 0.000000e+00 : f32
      %broadcast_in_dim3A_356 = vector.broadcast %jit3A_355 : f32 to vector<64x128xf32>
      %select_n3A_357 = arith.select %lt3A_354, %select_n3A_349, %broadcast_in_dim3A_356 : vector<64x128xi1>, vector<64x128xf32>
      %convert_element_type3A_358 = arith.fptosi %select_n3A_357 : vector<64x128xf32> to vector<64x128xi32>
      %swap3A_359 = arith.constant 0 : index
      %swap3A_360 = arith.constant 0 : index
      %swap3A_361 = vector.load %arg4[%swap3A_359, %swap3A_360] : memref<64x128xi32, #tpu.memory_space<vmem>>, vector<64x128xi32>
      tpu.vector_store %arg4[%swap3A_359, %swap3A_360], %convert_element_type3A_358 {strides = array<i32>} : memref<64x128xi32, #tpu.memory_space<vmem>>, vector<64x128xi32>,
    } else {
    }
    return
  }
  func.func @transform_0(%arg0: i32) -> (i32, i32) {
    %c0_i32 = arith.constant 0 : i32
    %c0_i32_0 = arith.constant 0 : i32
    %c0_i32_1 = arith.constant 0 : i32
    return %c0_i32, %c0_i32_0 : i32, i32
  }
  func.func @transform_1(%arg0: i32) -> (i32, i32) {
    %c0_i32 = arith.constant 0 : i32
    %c0_i32_0 = arith.constant 0 : i32
    return %arg0, %c0_i32 : i32, i32
  }
  func.func @transform_2(%arg0: i32) -> (i32, i32) {
    %c0_i32 = arith.constant 0 : i32
    %c0_i32_0 = arith.constant 0 : i32
    %c0_i32_1 = arith.constant 0 : i32
    return %c0_i32, %c0_i32_0 : i32, i32
  }
  func.func @transform_3(%arg0: i32) -> (i32, i32) {
    %c0_i32 = arith.constant 0 : i32
    %c0_i32_0 = arith.constant 0 : i32
    %c0_i32_1 = arith.constant 0 : i32
    return %c0_i32, %c0_i32_0 : i32, i32
  }
}

</mosaic_0001>

<sc_bundles>
// kernel: kernel.4.cloned.1.call-start
scs
__scs_entry_jumppad:
0x0: {  	(pc) =	sbr.rel $0x88, $3  }
0x1: {  	(tag) =	ssettag $0x0;
	lr =	simm.s32 $0x1  }
0x2: {  	[smem:$0x3F9E] =	sst lr;
	_ =	strace $0xD0000000  }
0x3: {  	_ = 	snop  }
0x4: {  	_ = 	snop  }
0x5: {  	_ = 	snop  }
0x6: {  	_ = 	snop  }
0x7: {  	_ = 	snop  }
__scs_overlays_trampoline_lowered:
0x8: {  	[smem:$0x3FAD] =	sst s0  }
0x9: {  	[smem:$0x3FAE] =	sst s1  }
0xa: {  	[smem:$0x3FAF] =	sst s2  }
0xb: {  	[smem:$0x3FB0] =	sst s3  }
0xc: {  	[smem:$0x3FB1] =	sst s4  }
0xd: {  	[smem:$0x3FB2] =	sst s5  }
0xe: {  	[smem:$0x3FB3] =	sst s6  }
0xf: {  	[smem:$0x3FB4] =	sst s7  }
0x10: {  	[smem:$0x3FB5] =	sst s8  }
0x11: {  	[smem:$0x3FB6] =	sst s9;
	s0 =	simm.s32 @!p0 $0x0  }
0x12: {  	s1 =	sld [smem:$0x3F9C];
	s0 =	simm.s32 @p0 $0x1  }
0x13: {  	[smem:$0x3FB7] =	sst s0;
	s0 =	simm.s32 @!p1 $0x0  }
0x14: {  	s2 =	sld [smem:$0x3F9B];
	s0 =	simm.s32 @p1 $0x1  }
0x15: {  	[smem:$0x3FB8] =	sst s0;
	s0 =	simm.s32 @!p2 $0x0  }
0x16: {  	s3 =	sld [smem:$0x3FDB];
	s0 =	simm.s32 @p2 $0x1  }
0x17: {  	s4 =	simm.s32 $0x1BF5;
	[smem:$0x3FBA] =	sst s0  }
0x18: {  	s0 =	sld [smem:$0x3F9D];
	_ =	swait.ge [sflag:s4], $0x0  }
0x19: {  	s7 =	sld [smem:$0x3F9E]  }
0x1a: {  	s8 =	sadd.s32 $0xFFFFE003, lr  }
0x1b: {  	s9 =	sadd.s32 $0xFFFFFEF7, lr;
	s5 =	simm.s32 $0xFFFFFFFF;
	p2 =	slt.u32 s8, $0xFFFFF086  }
0x1c: {  	p1 =	slt.u32 s9, $0xF7A;
	s5 =	simm.s32 @!p2 $0x0  }
0x1d: {  	s5 =	simm.s32 @p1 $0x1;
	p0 =	seq.s32 s7, s2  }
0x1e: {  	s7 =	smul.u32 @!p0 $0xF7A, s2;
	p2 =	seq.s32 @!p0 s5, $0x0  }
0x1f: {  	s9 =	smul.u32 $0xF7A, s1;
	s8 =	simm.s32 @!p0 $0x1BF5;
	p2 =	por !p2, p0  }
0x20: {  	[sflag:s8] =	ssyncset.s32 @!p0 $0xFFFFF086;
	s6 =	sadd.s32 @!p0 s3, s7;
	s7 =	simm.s32 @!p0 $0x108  }
0x21: {  	s3 =	sadd.s32 s3, s9;
	s6 =	sadd.s32 @!p0 $0x88, s6;
	s7 =	simm.s32 @p2 $0x1082  }
0x22: {  	[simem:s7], [sflag:s8] =	dma.local @!p0 [hbm:s6], $0xF7A  }
0x23: {  	s9 =	sor.u32 $0xD0000000, s2;
	s6 =	simm.s32 $0x108;
	_ =	swait.ge @!p0 [sflag:s8], $0x0  }
0x24: {  	s3 =	sadd.s32 $0x88, s3;
	s6 =	simm.s32 @!p1 $0x1082;
	[sflag:s4] =	ssyncset.s32 $0xFFFFF086  }
0x25: {  	[simem:s6], [sflag:s4] =	dma.local [hbm:s3], $0xF7A  }
0x26: {  	[smem:$0x3F9E] =	sst s1;
	(tag) =	ssettag s2;
	_ =	strace s9  }
0x27: {  	s1 =	sld [smem:$0x3FAE]  }
0x28: {  	s2 =	sld [smem:$0x3FAF]  }
0x29: {  	s4 =	sld [smem:$0x3FB1]  }
0x2a: {  	p0 =	seq.s32 s5, $0x0;
	s5 =	sld [smem:$0x3FB2]  }
0x2b: {  	s6 =	sld [smem:$0x3FB3]  }
0x2c: {  	s7 =	sld [smem:$0x3FB4]  }
0x2d: {  	s3 =	simm.s32 $0x108;
	s8 =	sld [smem:$0x3FB5]  }
0x2e: {  	s3 =	simm.s32 @!p0 $0x1082;
	s9 =	sld [smem:$0x3FB6]  }
0x2f: {  	lr =	sadd.s32 s0, s3;
	s0 =	sld [smem:$0x3FAD]  }
0x30: {  	s3 =	sld [smem:$0x3FB0]  }
0x31: {  	[smem:$0x3FB9] =	sst s10  }
0x32: {  	s10 =	sld [smem:$0x3FB7];
	_ =	sdelay $0x3  }
0x33: {  	p0 =	seq.s32 s10, $0x1;
	s10 =	sld [smem:$0x3FB9];
	_ =	sdelay $0x3  }
0x34: {  	[smem:$0x3FB9] =	sst s10  }
0x35: {  	s10 =	sld [smem:$0x3FB8];
	_ =	sdelay $0x3  }
0x36: {  	p1 =	seq.s32 s10, $0x1;
	s10 =	sld [smem:$0x3FB9];
	_ =	sdelay $0x3  }
0x37: {  	[smem:$0x3FB9] =	sst s10  }
0x38: {  	s10 =	sld [smem:$0x3FBA]  }
0x39: {  	_ = 	snop;
	(pc) =	sbr.ind lr, $3  }
0x3a: {  	_ = 	snop  }
0x3b: {  	_ = 	snop  }
0x3c: {  	p2 =	seq.s32 s10, $0x1;
	s10 =	sld [smem:$0x3FB9]  }
0x3d: {  	_ =	shalt  }
0x3e: {  	_ =	shalt  }
0x3f: {  	_ =	shalt  }
0x40: {  	_ =	shalt  }
0x41: {  	_ =	shalt  }
0x42: {  	_ =	shalt  }
0x43: {  	_ =	shalt  }
0x44: {  	_ =	shalt  }
0x45: {  	_ =	shalt  }
0x46: {  	_ =	shalt  }
0x47: {  	_ =	shalt  }
0x48: {  	_ =	shalt  }
0x49: {  	_ =	shalt  }
0x4a: {  	_ =	shalt  }
0x4b: {  	_ =	shalt  }
0x4c: {  	_ =	shalt  }
0x4d: {  	_ =	shalt  }
0x4e: {  	_ =	shalt  }
0x4f: {  	_ =	shalt  }
0x50: {  	_ =	shalt  }
0x51: {  	_ =	shalt  }
0x52: {  	_ =	shalt  }
0x53: {  	_ =	shalt  }
0x54: {  	_ =	shalt  }
0x55: {  	_ =	shalt  }
0x56: {  	_ =	shalt  }
0x57: {  	_ =	shalt  }
0x58: {  	_ =	shalt  }
0x59: {  	_ =	shalt  }
0x5a: {  	_ =	shalt  }
0x5b: {  	_ =	shalt  }
0x5c: {  	_ =	shalt  }
0x5d: {  	_ =	shalt  }
0x5e: {  	_ =	shalt  }
0x5f: {  	_ =	shalt  }
0x60: {  	_ =	shalt  }
0x61: {  	_ =	shalt  }
0x62: {  	_ =	shalt  }
0x63: {  	_ =	shalt  }
0x64: {  	_ =	shalt  }
0x65: {  	_ =	shalt  }
0x66: {  	_ =	shalt  }
0x67: {  	_ =	shalt  }
0x68: {  	_ =	shalt  }
0x69: {  	_ =	shalt  }
0x6a: {  	_ =	shalt  }
0x6b: {  	_ =	shalt  }
0x6c: {  	_ =	shalt  }
0x6d: {  	_ =	shalt  }
0x6e: {  	_ =	shalt  }
0x6f: {  	_ =	shalt  }
0x70: {  	_ =	shalt  }
0x71: {  	_ =	shalt  }
0x72: {  	_ =	shalt  }
0x73: {  	_ =	shalt  }
0x74: {  	_ =	shalt  }
0x75: {  	_ =	shalt  }
0x76: {  	_ =	shalt  }
0x77: {  	_ =	shalt  }
0x78: {  	_ =	shalt  }
0x79: {  	_ =	shalt  }
0x7a: {  	_ =	shalt  }
0x7b: {  	_ =	shalt  }
0x7c: {  	_ =	shalt  }
0x7d: {  	_ =	shalt  }
0x7e: {  	_ =	shalt  }
0x7f: {  	_ =	shalt  }
0x80: {  	_ =	shalt  }
0x81: {  	_ =	shalt  }
0x82: {  	_ =	shalt  }
0x83: {  	_ =	shalt  }
0x84: {  	_ =	shalt  }
0x85: {  	_ =	shalt  }
0x86: {  	_ =	shalt  }
0x87: {  	_ =	shalt  }
.Lfunc_end0:
.L_simem_size_0:
called_computation_lowered:
.L_overlay_start_0:
0x88: {  	s2 =	sld [smem:$0x3FD9]  }
0x89: {  	s3 =	sld [smem:$0x3FFE];
	_ =	sdelay $0x1  }
0x8a: {  	s1 =	srdreg.scid  }
0x8b: {  	s0 =	sand.u32 $0x1, s1  }
0x8c: {  	s16 =	sshll.u32 s0, $0xA;
	s2 =	sadd.s32 s3, s2  }
0x8d: {  	s2 =	sadd.s32 s2, s16  }
0x8e: {  	[smem:$0x3FC5] =	sst s2  }
0x8f: {  	_ = 	snop  }
0x90: {  	(tm) =	ssettm $0x1  }
0x91: {  	s17 =	sld [smem:$0x3FFB];
	_ =	sdelay $0x3  }
0x92: {  	_ =	strace s17  }
0x93: {  	s2 =	sld [smem:$0x3FFC];
	_ =	sdelay $0x3  }
0x94: {  	_ =	strace s2  }
0x95: {  	s2 =	sld [smem:$0x3FFD];
	_ =	sdelay $0x3  }
0x96: {  	_ =	strace s2  }
0x97: {  	_ =	strace $0x8FFFFFFF  }
0x98: {  	s18 =	sld [smem:$0x3FDB];
	_ =	sdelay $0x1  }
0x99: {  	s19 =	simm.s32 $_scs_section_size  }
0x9a: {  	s4 =	simm.s32 $_size__tile_overlayer_lowered;
	s5 =	simm.s32 $_tile_overlayer_lowered  }
0x9b: {  	s22 =	simm.s32 $0x1BFF;
	s21 =	sshll.u32 s5, $0x1;
	s2 =	sadd.s32 s19, s18  }
0x9c: {  	s6 =	simm.s32 $0x0;
	s20 =	sshll.u32 s4, $0x1;
	s4 =	sadd.s32 s21, s2  }
0x9d: {  	[timem:s6], [sflag:s22] =	dma.local [hbm:s4], s20  }
0x9e: {  	_ =	swait.ge [sflag:s22], s20  }
0x9f: {  	s3 =	ssub.s32 $0x0, s20;
	[sflag:s22] =	ssyncset.done $0x0  }
0xa0: {  	[sflag:s22] =	ssyncadd.s32 s3;
	_ =	sdelay $0x1  }
0xa1: {  	s23 =	simm.s32 $0x1B8B  }
0xa2: {  	_ =	swait.ge [sflag:s23], $0x1  }
0xa3: {  	[sflag:s23] =	ssyncset.done $0x0  }
0xa4: {  	s25 =	simm.s32 $0x1B8E;
	s24 =	sld [smem:$0x3FFE];
	[sflag:s23] =	ssyncadd.s32 $0xFFFFFFFF  }
0xa5: {  	s26 =	simm.s32 $execute0_lowered;
	[smem:$0x3FD2] =	sst s25  }
0xa6: {  	s4 =	sshll.u32 s26, $0x1;
	_ =	strace $0x80000046;
	[dreg:$0x1] =	wrdreg $0xFFFFFFFF  }
0xa7: {  	s28 =	simm.s32 $_size_execute0_lowered;
	s2 =	sadd.s32 s2, s4;
	[dreg:$0x0] =	wrdreg $0x0  }
0xa8: {  	s4 =	sshll.u32 s28, $0x1;
	[dreg:$0x2] =	wrdreg s2  }
0xa9: {  	[dreg:$0x3] =	wrdreg s4  }
0xaa: {  	[dreg:$0x4] =	wrdreg $0xC0  }
0xab: {  	_ =	task [dreg:s6], $0x5FFFF  }
0xac: {  	[dreg:$0x1] =	wrdreg $0xFFFFFFFF  }
0xad: {  	[dreg:$0x0] =	wrdreg $0x60  }
0xae: {  	[dreg:$0x2] =	wrdreg s24  }
0xaf: {  	[dreg:$0x3] =	wrdreg $0x9  }
0xb0: {  	_ =	task.clear_ibuf [dreg:s6], $0x4FFFF;
	_ =	strace $0x90000046  }
0xb1: {  	s29 =	simm.s32 $0x9;
	_ =	strace $0x80000048  }
0xb2: {  	_ =	swait.ge [sflag:s29], $0x1  }
0xb3: {  	[sflag:s29] =	ssyncadd.s32 $0xFFFFFFFF  }
0xb4: {  	_ =	strace $0x90000048  }
0xb5: {  	_ =	sfence  }
0xb6: {  	s30 =	sld [smem:$0x0];
	_ =	sdelay $0x2  }
0xb7: {  	s31 =	sshll.u32 s1, $0xD;
	s1 =	sshrl.u32 s1, $0x2  }
0xb8: {  	s3 =	sand.u32 $0x4000, s31;
	s1 =	sadd.s32 s1, s30  }
0xb9: {  	s0 =	sor.u32 s3, s0;
	s1 =	sshll.u32 s1, $0x11  }
0xba: {  	s0 =	sor.u32 s1, s0  }
0xbb: {  	s0 =	sadd.s32 $0x8F2B, s0  }
0xbc: {  	[sflag:s0] =	ssyncadd.remote.s32 $0x1  }
0xbd: {  	_ =	sfence.sel $0xFFFF  }
0xbe: {  	[dreg:$0x0] =	wrdreg $0xFFFFFFFF;
	(pc) =	sbr.abs _section_cstart, $3  }
0xbf: {  	[dreg:$0x1] =	wrdreg $0xFFFFFFFF  }
0xc0: {  	_ =	task.clear_ibuf [dreg:s6], $0x2FFFF;
	_ =	strace $0x9FFFFFFF  }
0xc1: {  	(tm) =	ssettm $0x7FFFFFFF  }
tec
execute0_lowered:
.L_overlay_start_1:
0x0: {  	(tag) =	ssettag $0x1  }
0x1: {  	s12 =	rddreg [dreg:$0x0];
	s2 =	srdreg.scid  }
0x2: {  	s0 =	rddreg [dreg:$0x1];
	s1 =	stileid.u32;
	s13 =	sand.u32 $0x1, s2  }
0x3: {  	s2 =	simm.s32 $0x0;
	s3 =	sshll.u32 s1, $0x6;
	s4 =	sshll.u32 s13, $0x5  }
0x4: {  	s14 =	sadd.s32 $0x200, s12;
	[smem:$0x7FF] =	sst s2;
	s17 =	sor.u32 s4, s3  }
0x5: {  	_ =	strace $0x80000047;
	s3 =	simm.s32 $0x2;
	s4 =	sadd.s32 s14, s17  }
0x6: {  	[tilespmem:s2], [sflag:$0x2] =	stream.linear.gather [hbm4b:s4+s2], $0x10, $0x38;
	[tilespmem:$0x280] =	vst v63  }
0x7: {  	_ =	swait.ge [sflag:s3], $0x10  }
0x8: {  	s18 =	sadd.s32 $0x600, s12;
	[sflag:s3] =	ssyncset.done $0x0  }
0x9: {  	s6 =	simm.s32 $0x80;
	s5 =	sadd.s32 s18, s17;
	[sflag:s3] =	ssyncadd.s32 $0xFFFFFFF0  }
0xa: {  	[tilespmem:s6], [sflag:$0x2] =	stream.linear.gather [hbm4b:s5+s2], $0x10, $0x38;
	[tilespmem:$0x280] =	vst v63  }
0xb: {  	_ =	swait.ge [sflag:s3], $0x10  }
0xc: {  	s8 =	simm.s32 $0x10;
	s9 =	simm.s32 $0x100;
	[sflag:s3] =	ssyncset.done $0x0  }
0xd: {  	s10 =	simm.s32 $0x1;
	s7 =	sadd.s32 $0x186C00, s12;
	[sflag:s3] =	ssyncadd.s32 $0xFFFFFFF0  }
0xe: {  	[tilespmem:s9], [sflag:$0x1] =	stream.indirect.gather [hbm4b:s7+s8], $0x1, s6, s8, $0xb8;
	[tilespmem:$0x280] =	vst v63  }
0xf: {  	_ =	swait.ge [sflag:s10], $0x10  }
0x10: {  	[sflag:s10] =	ssyncset.done $0x0  }
0x11: {  	[sflag:s10] =	ssyncadd.s32 $0xFFFFFFF0  }
0x12: {  	v10 =	vld [tilespmem:$0x0];
	_ =	sdelay $0x2  }
0x13: {  	v11 =	vld [tilespmem:$0x100]  }
0x14: {  	vm0 =	vcmask $0x1300;
	v0 =	vimm.f32 $0.0e+00;
	v6 =	vimm.s32 $0x0  }
0x15: {  	v7 =	vimm.s32 $0x1;
	v4 =	vsel vm0, $0x3F800000, v0;
	vm1 =	vge.f32 v10, $8.000000110e-01  }
0x16: {  	v9 =	vimm.s32 $0x2;
	v3 =	vimm.s32 $0x3;
	v12 =	vnsel vm1, $0x0, v4  }
0x17: {  	v2 =	vimm.s32 $0x4;
	v13 =	vimm.s32 $0x67452301;
	v1 =	vperm.xlane v12, v6  }
0x18: {  	v0 =	vimm.s32 $0xEFCDAB89;
	v5 =	vperm.xlane v11, v7;
	v8 =	vperm.xlane v11, v6  }
0x19: {  	v0 =	vunpack.c.l.s4.s8 v0;
	v14 =	vperm.xlane v12, v7;
	v1 =	vadd.f32 $0.0e+00, v1  }
0x1a: {  	v15 =	vperm.xlane v11, v9;
	vm0 =	veq.f32 v11, v5;
	vm2 =	veq.f32 v11, v8  }
0x1b: {  	v8 =	vperm.xlane v12, v9;
	v5 =	vnsel vm0, $0x0, v14;
	v1 =	vnsel vm2, $0x0, v1  }
0x1c: {  	v14 =	vperm.xlane v11, v3;
	vm0 =	veq.f32 v11, v15;
	v1 =	vadd.f32 v5, v1  }
0x1d: {  	v8 =	vnsel vm0, $0x0, v8;
	v5 =	vunpack.c.l.s4.s8 v13;
	v13 =	vperm.xlane v12, v3  }
0x1e: {  	v15 =	vperm.xlane v11, v2;
	vm0 =	veq.f32 v11, v14;
	v1 =	vadd.f32 v8, v1  }
0x1f: {  	v0 =	vunpack.c.0.s8.s32 v0;
	v8 =	vnsel vm0, $0x0, v13;
	v13 =	vperm.xlane v12, v2  }
0x20: {  	v14 =	vimm.s32 $0x54761032;
	vm0 =	veq.f32 v11, v15;
	v1 =	vadd.f32 v8, v1  }
0x21: {  	v5 =	vunpack.c.0.s8.s32 v5;
	v8 =	vimm.s32 $0xDCFE98BA;
	v13 =	vnsel vm0, $0x0, v13  }
0x22: {  	v14 =	vunpack.c.l.s4.s8 v14;
	v8 =	vunpack.c.l.s4.s8 v8;
	v13 =	vadd.f32 v13, v1  }
0x23: {  	v0 =	vcombine.low v5, v0  }
0x24: {  	v5 =	vunpack.c.0.s8.s32 v14;
	v1 =	vunpack.c.0.s8.s32 v8;
	v8 =	vmul.f32 $1.000000000e+06, v13  }
0x25: {  	vm0 =	vmmov $0x1f  }
0x26: {  	v14 =	vimm.s32 $0x32107654;
	v1 =	vcombine.low v5, v1;
	v5 =	vsub.f32 v8, v11  }
0x27: {  	vm1 =	vmand vm1, vm0;
	v14 =	vunpack.c.l.s4.s8 v14;
	v8 =	vimm.s32 $0xBA98FEDC  }
0x28: {  	v0 =	vand.u32 $0xF, v0;
	v8 =	vunpack.c.l.s4.s8 v8;
	v15 =	vnsel vm1, $0xFF800000, v5  }
0x29: {  	v16 =	vimm.s32 $0xFEDCBA98;
	v5 =	vperm.xlane v15, v0  }
0x2a: {  	v17 =	vimm.s32 $0x76543210;
	v14 =	vunpack.c.0.s8.s32 v14;
	v8 =	vunpack.c.0.s8.s32 v8  }
0x2b: {  	v16 =	vunpack.c.l.s4.s8 v16;
	v1 =	vand.u32 $0xF, v1;
	v18 =	vmax.f32 v15, v5  }
0x2c: {  	v5 =	vcombine.low v14, v8;
	v8 =	vunpack.c.l.s4.s8 v17;
	v14 =	vperm.xlane v18, v1  }
0x2d: {  	v16 =	vunpack.c.0.s8.s32 v16  }
0x2e: {  	v5 =	vand.u32 $0xF, v5;
	v8 =	vunpack.c.0.s8.s32 v8;
	v14 =	vmax.f32 v18, v14  }
0x2f: {  	v16 =	vand.u32 $0xF, v16;
	v18 =	vperm.xlane v14, v5  }
0x30: {  	v17 =	vperm.xlane v12, v0;
	v8 =	vcombine.low v16, v8  }
0x31: {  	v14 =	vmax.f32 v14, v18  }
0x32: {  	v12 =	vadd.f32 v17, v12;
	v16 =	vperm.xlane v14, v8;
	_ =	sdelay $0x1  }
0x33: {  	v17 =	vperm.xlane v12, v1;
	v14 =	vmax.f32 v14, v16  }
0x34: {  	vm1 =	veq.f32 v15, v14  }
0x35: {  	v12 =	vadd.f32 v17, v12;
	v14 =	vnsel vm1, $0xCEEE6B28, v11  }
0x36: {  	v16 =	vperm.xlane v14, v0  }
0x37: {  	v15 =	vperm.xlane v12, v5  }
0x38: {  	v14 =	vmax.f32 v14, v16  }
0x39: {  	v12 =	vadd.f32 v15, v12;
	v15 =	vperm.xlane v14, v1;
	_ =	sdelay $0x1  }
0x3a: {  	v16 =	vperm.xlane v12, v8;
	v14 =	vmax.f32 v14, v15  }
0x3b: {  	v13 =	vnsel vm1, $0xBF800000, v13;
	v15 =	vperm.xlane v14, v5  }
0x3c: {  	v12 =	vadd.f32 v16, v12;
	v16 =	vperm.xlane v13, v0  }
0x3d: {  	v14 =	vmax.f32 v14, v15  }
0x3e: {  	v17 =	vmax.f32 v12, $1.000000000e+00;
	v13 =	vmax.f32 v13, v16;
	v15 =	vperm.xlane v14, v8  }
0x3f: {  	(erf) = vrcp.f32 v17;
	v16 =	vperm.xlane v13, v1  }
0x40: {  	v14 =	vmax.f32 v14, v15  }
0x41: {  	v13 =	vmax.f32 v13, v16;
	vm1 =	veq.f32 v11, v14  }
0x42: {  	v11 =	vperm.xlane v13, v5;
	vm1 =	vmand vm1, vm0  }
0x43: {  	v10 =	vnsel vm1, $0xFF800000, v10  }
0x44: {  	v11 =	vmax.f32 v13, v11;
	v13 =	vperm.xlane v10, v0;
	_ =	sdelay $0x1  }
0x45: {  	v15 =	vperm.xlane v11, v8  }
0x46: {  	v10 =	vmax.f32 v10, v13  }
0x47: {  	v11 =	vmax.f32 v11, v15;
	v15 =	vperm.xlane v10, v1;
	v13 =	vpop (erf)  }
0x48: {  	v11 =	vmul.f32 v13, v11  }
0x49: {  	v10 =	vmax.f32 v10, v15  }
0x4a: {  	vm2 =	vgt.f32 v12, $0.0e+00;
	vm1 =	vge.f32 v11, $0.0e+00;
	v11 =	vperm.xlane v10, v5  }
0x4b: {  	vm2 =	vmand vm2, vm1  }
0x4c: {  	vm1 =	vmmov $0x1;
	v12 =	vnsel vm2, $0xBF800000, v14;
	v10 =	vmax.f32 v10, v11  }
0x4d: {  	v11 =	vperm.xlane v10, v8;
	v12 =	vnsel vm1, $0x0, v12  }
0x4e: {  	v12 =	vtrunc.f32 v12  }
0x4f: {  	v10 =	vmax.f32 v10, v11;
	v11 =	vcvt.f32.s32 v12  }
0x50: {  	v10 =	vnsel vm2, $0x0, v10  }
0x51: {  	s19 =	sadd.s32 $0xE00, s12;
	v10 =	vnsel vm1, $0x0, v10;
	[tilespmem:$0x200] =	vst v11  }
0x52: {  	s11 =	simm.s32 $0x180;
	s15 =	sadd.s32 s19, s17;
	[tilespmem:$0x180] =	vst v10  }
0x53: {  	[hbm4b:s15+s2] =	stream.linear.scatter [tilespmem:s11], [sflag:$0x2], $0x80, $0x38;
	[tilespmem:$0x280] =	vst v63  }
0x54: {  	_ =	swait.ge [sflag:s3], $0x80  }
0x55: {  	s20 =	sadd.s32 $0xA00, s12;
	[sflag:s3] =	ssyncset.done $0x0  }
0x56: {  	s12 =	simm.s32 $0x200;
	s16 =	sadd.s32 s20, s17;
	[sflag:s3] =	ssyncadd.s32 $0xFFFFFF80  }
0x57: {  	[hbm4b:s16+s2] =	stream.linear.scatter [tilespmem:s12], [sflag:$0x2], $0x80, $0x38;
	[tilespmem:$0x280] =	vst v63  }
0x58: {  	_ =	swait.ge [sflag:s3], $0x80  }
0x59: {  	s21 =	sor.u32 $0x10, s17;
	[sflag:s3] =	ssyncset.done $0x0  }
0x5a: {  	s17 =	sadd.s32 s14, s21;
	[sflag:s3] =	ssyncadd.s32 $0xFFFFFF80  }
0x5b: {  	[tilespmem:s2], [sflag:$0x2] =	stream.linear.gather [hbm4b:s17+s2], $0x10, $0x38;
	[tilespmem:$0x280] =	vst v63  }
0x5c: {  	_ =	swait.ge [sflag:s3], $0x10  }
0x5d: {  	[sflag:s3] =	ssyncset.done $0x0  }
0x5e: {  	s18 =	sadd.s32 s18, s21;
	[sflag:s3] =	ssyncadd.s32 $0xFFFFFFF0  }
0x5f: {  	[tilespmem:s6], [sflag:$0x2] =	stream.linear.gather [hbm4b:s18+s2], $0x10, $0x38;
	[tilespmem:$0x280] =	vst v63  }
0x60: {  	_ =	swait.ge [sflag:s3], $0x10  }
0x61: {  	[sflag:s3] =	ssyncset.done $0x0  }
0x62: {  	[sflag:s3] =	ssyncadd.s32 $0xFFFFFFF0  }
0x63: {  	[tilespmem:s9], [sflag:$0x1] =	stream.indirect.gather [hbm4b:s7+s8], $0x1, s6, s8, $0xb8;
	[tilespmem:$0x280] =	vst v63  }
0x64: {  	_ =	swait.ge [sflag:s10], $0x10  }
0x65: {  	[sflag:s10] =	ssyncset.done $0x0  }
0x66: {  	[sflag:s10] =	ssyncadd.s32 $0xFFFFFFF0  }
0x67: {  	s13 =	ssub.s32 $0x2, s13;
	v10 =	vld [tilespmem:$0x0]  }
0x68: {  	s31 =	sshrl.u32 s13, $0x1;
	v11 =	vld [tilespmem:$0x100]  }
0x69: {  	s13 =	ssub.s32 s13, s31  }
0x6a: {  	s22 =	smax.u32 s13, $0x1  }
0x6b: {  	p0 =	sne.s32 s22, $0x1  }
.Ltmp0:
0x6c: {  	vm2 =	vge.f32 v10, $8.000000110e-01;
	(pc) =	sbr.rel @!p0 .LBB2_2-.Ltmp0, $4  }
0x6d: {  	v13 =	vperm.xlane v11, v6;
	v14 =	vperm.xlane v11, v7;
	v12 =	vnsel vm2, $0x0, v4  }
0x6e: {  	v15 =	vperm.xlane v12, v6;
	v16 =	vperm.xlane v12, v7  }
0x6f: {  	vm3 =	veq.f32 v11, v13;
	vm4 =	veq.f32 v11, v14;
	v13 =	vperm.xlane v12, v9  }
0x70: {  	s14 =	sadd.s32 s19, s21;
	s13 =	sadd.s32 s20, s21;
	s19 =	sadd.s32 $0xFFFFFFFF, s22;
	v15 =	vadd.f32 $0.0e+00, v15;
	v14 =	vnsel vm4, $0x0, v16;
	v16 =	vperm.xlane v11, v9  }
.LBB2_1:
0x71: {  	p0 =	sne.s32 s19, $0x1;
	s19 =	sadd.s32 $0xFFFFFFFF, s19;
	v17 =	vperm.xlane v11, v3;
	v18 =	vperm.xlane v12, v3  }
0x72: {  	v15 =	vnsel vm3, $0x0, v15;
	vm3 =	veq.f32 v11, v16;
	v16 =	vperm.xlane v11, v2  }
0x73: {  	v14 =	vadd.f32 v14, v15;
	v13 =	vnsel vm3, $0x0, v13;
	vm3 =	veq.f32 v11, v17  }
0x74: {  	v15 =	vnsel vm3, $0x0, v18;
	vm3 =	veq.f32 v11, v16;
	v16 =	vperm.xlane v12, v0  }
0x75: {  	v13 =	vadd.f32 v13, v14;
	v14 =	vperm.xlane v12, v2  }
0x76: {  	v12 =	vadd.f32 v16, v12  }
0x77: {  	v13 =	vadd.f32 v15, v13;
	v14 =	vnsel vm3, $0x0, v14  }
0x78: {  	v15 =	vperm.xlane v12, v1  }
0x79: {  	v13 =	vadd.f32 v14, v13  }
0x7a: {  	v12 =	vadd.f32 v15, v12  }
0x7b: {  	v14 =	vmul.f32 $1.000000000e+06, v13  }
0x7c: {  	v15 =	vperm.xlane v12, v5  }
0x7d: {  	vm2 =	vmand vm2, vm0;
	v14 =	vsub.f32 v14, v11  }
0x7e: {  	v12 =	vadd.f32 v15, v12  }
0x7f: {  	v14 =	vnsel vm2, $0xFF800000, v14  }
0x80: {  	v15 =	vperm.xlane v14, v0;
	v16 =	vperm.xlane v12, v8;
	_ =	sdelay $0x1  }
0x81: {  	v15 =	vmax.f32 v14, v15;
	v12 =	vadd.f32 v16, v12  }
0x82: {  	v16 =	vperm.xlane v15, v1  }
0x83: {  	v17 =	vmax.f32 v12, $1.000000000e+00  }
0x84: {  	v15 =	vmax.f32 v15, v16  }
0x85: {  	v16 =	vperm.xlane v15, v5;
	_ =	sdelay $0x1  }
0x86: {  	v15 =	vmax.f32 v15, v16  }
0x87: {  	v16 =	vperm.xlane v15, v8;
	_ =	sdelay $0x1  }
0x88: {  	v15 =	vmax.f32 v15, v16  }
0x89: {  	vm2 =	veq.f32 v14, v15  }
0x8a: {  	v14 =	vnsel vm2, $0xCEEE6B28, v11;
	v13 =	vnsel vm2, $0xBF800000, v13  }
0x8b: {  	v15 =	vperm.xlane v14, v0;
	v16 =	vperm.xlane v13, v0;
	_ =	sdelay $0x1  }
0x8c: {  	v14 =	vmax.f32 v14, v15;
	v13 =	vmax.f32 v13, v16;
	(erf) = vrcp.f32 v17  }
0x8d: {  	v15 =	vperm.xlane v14, v1;
	v16 =	vperm.xlane v13, v1;
	_ =	sdelay $0x1  }
0x8e: {  	v14 =	vmax.f32 v14, v15;
	v13 =	vmax.f32 v13, v16  }
0x8f: {  	v15 =	vperm.xlane v14, v5;
	v16 =	vperm.xlane v13, v5;
	_ =	sdelay $0x1  }
0x90: {  	v14 =	vmax.f32 v14, v15;
	v13 =	vmax.f32 v13, v16  }
0x91: {  	v17 =	vperm.xlane v14, v8;
	v16 =	vperm.xlane v13, v8;
	_ =	sdelay $0x1  }
0x92: {  	v14 =	vmax.f32 v14, v17;
	v13 =	vmax.f32 v13, v16;
	v15 =	vpop (erf)  }
0x93: {  	v13 =	vmul.f32 v15, v13;
	vm2 =	veq.f32 v11, v14  }
0x94: {  	vm2 =	vmand vm2, vm0  }
0x95: {  	vm3 =	vge.f32 v13, $0.0e+00;
	v10 =	vnsel vm2, $0xFF800000, v10  }
0x96: {  	v11 =	vperm.xlane v10, v0;
	_ =	sdelay $0x1  }
0x97: {  	v10 =	vmax.f32 v10, v11  }
0x98: {  	v11 =	vperm.xlane v10, v1;
	_ =	sdelay $0x1  }
0x99: {  	v10 =	vmax.f32 v10, v11  }
0x9a: {  	vm2 =	vgt.f32 v12, $0.0e+00;
	v11 =	vperm.xlane v10, v5  }
0x9b: {  	vm2 =	vmand vm2, vm3  }
0x9c: {  	v12 =	vnsel vm2, $0xBF800000, v14;
	v10 =	vmax.f32 v10, v11  }
0x9d: {  	v12 =	vnsel vm1, $0x0, v12;
	v11 =	vperm.xlane v10, v8  }
0x9e: {  	v12 =	vtrunc.f32 v12  }
0x9f: {  	v10 =	vmax.f32 v10, v11;
	v11 =	vcvt.f32.s32 v12  }
0xa0: {  	v10 =	vnsel vm2, $0x0, v10  }
0xa1: {  	v10 =	vnsel vm1, $0x0, v10;
	[tilespmem:$0x200] =	vst v11  }
0xa2: {  	[tilespmem:$0x180] =	vst v10  }
0xa3: {  	[hbm4b:s14+s2] =	stream.linear.scatter [tilespmem:s11], [sflag:$0x2], $0x80, $0x38;
	[tilespmem:$0x280] =	vst v63  }
0xa4: {  	_ =	swait.ge [sflag:s3], $0x80  }
0xa5: {  	[sflag:s3] =	ssyncset.done $0x0  }
0xa6: {  	[sflag:s3] =	ssyncadd.s32 $0xFFFFFF80  }
0xa7: {  	[hbm4b:s13+s2] =	stream.linear.scatter [tilespmem:s12], [sflag:$0x2], $0x80, $0x38;
	[tilespmem:$0x280] =	vst v63  }
0xa8: {  	_ =	swait.ge [sflag:s3], $0x80  }
0xa9: {  	[sflag:s3] =	ssyncset.done $0x0  }
0xaa: {  	[sflag:s3] =	ssyncadd.s32 $0xFFFFFF80  }
0xab: {  	[tilespmem:s2], [sflag:$0x2] =	stream.linear.gather [hbm4b:s4+s2], $0x10, $0x38;
	[tilespmem:$0x280] =	vst v63  }
0xac: {  	_ =	swait.ge [sflag:s3], $0x10  }
0xad: {  	[sflag:s3] =	ssyncset.done $0x0  }
0xae: {  	[sflag:s3] =	ssyncadd.s32 $0xFFFFFFF0  }
0xaf: {  	[tilespmem:s6], [sflag:$0x2] =	stream.linear.gather [hbm4b:s5+s2], $0x10, $0x38;
	[tilespmem:$0x280] =	vst v63  }
0xb0: {  	_ =	swait.ge [sflag:s3], $0x10  }
0xb1: {  	[sflag:s3] =	ssyncset.done $0x0  }
0xb2: {  	[sflag:s3] =	ssyncadd.s32 $0xFFFFFFF0  }
0xb3: {  	[tilespmem:s9], [sflag:$0x1] =	stream.indirect.gather [hbm4b:s7+s8], $0x1, s6, s8, $0xb8;
	[tilespmem:$0x280] =	vst v63  }
0xb4: {  	_ =	swait.ge [sflag:s10], $0x10  }
0xb5: {  	[sflag:s10] =	ssyncset.done $0x0  }
0xb6: {  	[sflag:s10] =	ssyncadd.s32 $0xFFFFFFF0  }
0xb7: {  	v10 =	vld [tilespmem:$0x0]  }
0xb8: {  	v11 =	vld [tilespmem:$0x100];
	_ =	sdelay $0x3  }
0xb9: {  	vm2 =	vge.f32 v10, $8.000000110e-01  }
0xba: {  	v12 =	vnsel vm2, $0x0, v4;
	v13 =	vperm.xlane v11, v7;
	v14 =	vperm.xlane v11, v2  }
0xbb: {  	v15 =	vperm.xlane v11, v9;
	v16 =	vperm.xlane v11, v3  }
0xbc: {  	v17 =	vperm.xlane v11, v6;
	v18 =	vperm.xlane v12, v6;
	vm3 =	veq.f32 v11, v13  }
0xbd: {  	v13 =	vperm.xlane v12, v7;
	vm4 =	veq.f32 v11, v15;
	vm5 =	veq.f32 v11, v16  }
0xbe: {  	vm6 =	veq.f32 v11, v17;
	vm7 =	veq.f32 v11, v14;
	v15 =	vadd.f32 $0.0e+00, v18  }
0xbf: {  	v14 =	vperm.xlane v12, v9;
	v16 =	vperm.xlane v12, v3;
	v13 =	vnsel vm3, $0x0, v13  }
0xc0: {  	v17 =	vperm.xlane v12, v0;
	v15 =	vnsel vm6, $0x0, v15  }
0xc1: {  	v14 =	vnsel vm4, $0x0, v14;
	v13 =	vadd.f32 v13, v15;
	v15 =	vnsel vm5, $0x0, v16  }
0xc2: {  	v16 =	vadd.f32 v17, v12  }
0xc3: {  	v12 =	vperm.xlane v12, v2;
	v13 =	vadd.f32 v14, v13  }
0xc4: {  	v14 =	vperm.xlane v16, v1  }
0xc5: {  	v12 =	vnsel vm7, $0x0, v12;
	v13 =	vadd.f32 v15, v13  }
0xc6: {  	v14 =	vadd.f32 v14, v16  }
0xc7: {  	v12 =	vadd.f32 v12, v13  }
0xc8: {  	v13 =	vperm.xlane v14, v5  }
0xc9: {  	v15 =	vmul.f32 $1.000000000e+06, v12  }
0xca: {  	v13 =	vadd.f32 v13, v14  }
0xcb: {  	vm2 =	vmand vm2, vm0;
	v14 =	vsub.f32 v15, v11  }
0xcc: {  	v15 =	vperm.xlane v13, v8  }
0xcd: {  	v14 =	vnsel vm2, $0xFF800000, v14  }
0xce: {  	v13 =	vadd.f32 v15, v13;
	v16 =	vperm.xlane v14, v0;
	_ =	sdelay $0x1  }
0xcf: {  	v15 =	vmax.f32 v14, v16;
	v16 =	vmax.f32 v13, $1.000000000e+00  }
0xd0: {  	v17 =	vperm.xlane v15, v1;
	_ =	sdelay $0x1  }
0xd1: {  	v15 =	vmax.f32 v15, v17  }
0xd2: {  	v17 =	vperm.xlane v15, v5;
	_ =	sdelay $0x1  }
0xd3: {  	v15 =	vmax.f32 v15, v17  }
0xd4: {  	v17 =	vperm.xlane v15, v8;
	_ =	sdelay $0x1  }
0xd5: {  	v15 =	vmax.f32 v15, v17  }
0xd6: {  	vm2 =	veq.f32 v14, v15  }
0xd7: {  	v14 =	vnsel vm2, $0xCEEE6B28, v11;
	v12 =	vnsel vm2, $0xBF800000, v12  }
0xd8: {  	v15 =	vperm.xlane v14, v0;
	v17 =	vperm.xlane v12, v0;
	_ =	sdelay $0x1  }
0xd9: {  	v14 =	vmax.f32 v14, v15;
	v12 =	vmax.f32 v12, v17;
	(erf) = vrcp.f32 v16  }
0xda: {  	v15 =	vperm.xlane v14, v1;
	v16 =	vperm.xlane v12, v1;
	_ =	sdelay $0x1  }
0xdb: {  	v14 =	vmax.f32 v14, v15;
	v12 =	vmax.f32 v12, v16  }
0xdc: {  	v15 =	vperm.xlane v14, v5;
	v16 =	vperm.xlane v12, v5;
	_ =	sdelay $0x1  }
0xdd: {  	v14 =	vmax.f32 v14, v15;
	v12 =	vmax.f32 v12, v16  }
0xde: {  	v17 =	vperm.xlane v14, v8;
	v16 =	vperm.xlane v12, v8;
	_ =	sdelay $0x1  }
0xdf: {  	v14 =	vmax.f32 v14, v17;
	v12 =	vmax.f32 v12, v16;
	v15 =	vpop (erf)  }
0xe0: {  	vm2 =	veq.f32 v11, v14;
	v12 =	vmul.f32 v15, v12  }
0xe1: {  	vm2 =	vmand vm2, vm0  }
0xe2: {  	v10 =	vnsel vm2, $0xFF800000, v10;
	vm3 =	vge.f32 v12, $0.0e+00  }
0xe3: {  	v11 =	vperm.xlane v10, v0;
	_ =	sdelay $0x1  }
0xe4: {  	v10 =	vmax.f32 v10, v11  }
0xe5: {  	v11 =	vperm.xlane v10, v1;
	_ =	sdelay $0x1  }
0xe6: {  	v10 =	vmax.f32 v10, v11  }
0xe7: {  	vm2 =	vgt.f32 v13, $0.0e+00;
	v11 =	vperm.xlane v10, v5  }
0xe8: {  	vm2 =	vmand vm2, vm3  }
0xe9: {  	v12 =	vnsel vm2, $0xBF800000, v14;
	v10 =	vmax.f32 v10, v11  }
0xea: {  	v12 =	vnsel vm1, $0x0, v12;
	v11 =	vperm.xlane v10, v8  }
0xeb: {  	v12 =	vtrunc.f32 v12  }
0xec: {  	v10 =	vmax.f32 v10, v11;
	v11 =	vcvt.f32.s32 v12  }
0xed: {  	v10 =	vnsel vm2, $0x0, v10  }
0xee: {  	v10 =	vnsel vm1, $0x0, v10;
	[tilespmem:$0x200] =	vst v11  }
0xef: {  	[tilespmem:$0x180] =	vst v10  }
0xf0: {  	[hbm4b:s15+s2] =	stream.linear.scatter [tilespmem:s11], [sflag:$0x2], $0x80, $0x38;
	[tilespmem:$0x280] =	vst v63  }
0xf1: {  	_ =	swait.ge [sflag:s3], $0x80  }
0xf2: {  	[sflag:s3] =	ssyncset.done $0x0  }
0xf3: {  	[sflag:s3] =	ssyncadd.s32 $0xFFFFFF80  }
0xf4: {  	[hbm4b:s16+s2] =	stream.linear.scatter [tilespmem:s12], [sflag:$0x2], $0x80, $0x38;
	[tilespmem:$0x280] =	vst v63  }
0xf5: {  	_ =	swait.ge [sflag:s3], $0x80  }
0xf6: {  	[sflag:s3] =	ssyncset.done $0x0  }
0xf7: {  	[sflag:s3] =	ssyncadd.s32 $0xFFFFFF80  }
0xf8: {  	[tilespmem:s2], [sflag:$0x2] =	stream.linear.gather [hbm4b:s17+s2], $0x10, $0x38;
	[tilespmem:$0x280] =	vst v63  }
0xf9: {  	_ =	swait.ge [sflag:s3], $0x10  }
0xfa: {  	[sflag:s3] =	ssyncset.done $0x0  }
0xfb: {  	[sflag:s3] =	ssyncadd.s32 $0xFFFFFFF0  }
0xfc: {  	[tilespmem:s6], [sflag:$0x2] =	stream.linear.gather [hbm4b:s18+s2], $0x10, $0x38;
	[tilespmem:$0x280] =	vst v63  }
0xfd: {  	_ =	swait.ge [sflag:s3], $0x10  }
0xfe: {  	[sflag:s3] =	ssyncset.done $0x0  }
0xff: {  	[sflag:s3] =	ssyncadd.s32 $0xFFFFFFF0  }
0x100: {  	[tilespmem:s9], [sflag:$0x1] =	stream.indirect.gather [hbm4b:s7+s8], $0x1, s6, s8, $0xb8;
	[tilespmem:$0x280] =	vst v63  }
0x101: {  	_ =	swait.ge [sflag:s10], $0x10  }
0x102: {  	[sflag:s10] =	ssyncset.done $0x0  }
0x103: {  	[sflag:s10] =	ssyncadd.s32 $0xFFFFFFF0  }
0x104: {  	v10 =	vld [tilespmem:$0x0]  }
0x105: {  	v11 =	vld [tilespmem:$0x100];
	_ =	sdelay $0x3  }
.Ltmp1:
0x106: {  	vm2 =	vge.f32 v10, $8.000000110e-01;
	(pc) =	sbr.rel @p0 .LBB2_1-.Ltmp1, $4  }
0x107: {  	v12 =	vnsel vm2, $0x0, v4;
	v13 =	vperm.xlane v11, v6;
	v14 =	vperm.xlane v11, v7  }
0x108: {  	v15 =	vperm.xlane v12, v6;
	v16 =	vperm.xlane v12, v7  }
0x109: {  	vm3 =	veq.f32 v11, v13;
	vm4 =	veq.f32 v11, v14;
	v13 =	vperm.xlane v12, v9  }
0x10a: {  	v15 =	vadd.f32 $0.0e+00, v15;
	v14 =	vnsel vm4, $0x0, v16;
	v16 =	vperm.xlane v11, v9  }
.LBB2_2:
0x10b: {  	_ = 	snop  }
0x10c: {  	v4 =	vnsel vm3, $0x0, v15  }
0x10d: {  	v6 =	vperm.xlane v11, v3;
	vm9 =	veq.f32 v11, v16;
	v4 =	vadd.f32 v14, v4  }
0x10e: {  	v44 =	vperm.xlane v12, v3;
	v7 =	vnsel vm9, $0x0, v13  }
0x10f: {  	v9 =	vperm.xlane v11, v2;
	vm10 =	veq.f32 v11, v6;
	v4 =	vadd.f32 v7, v4  }
0x110: {  	v45 =	vperm.xlane v12, v2;
	v3 =	vnsel vm10, $0x0, v44  }
0x111: {  	vm11 =	veq.f32 v11, v9;
	v3 =	vadd.f32 v3, v4  }
0x112: {  	v2 =	vnsel vm11, $0x0, v45  }
0x113: {  	v2 =	vadd.f32 v2, v3;
	_ =	sdelay $0x1  }
0x114: {  	v3 =	vmul.f32 $1.000000000e+06, v2;
	_ =	sdelay $0x1  }
0x115: {  	v3 =	vsub.f32 v3, v11  }
0x116: {  	vm2 =	vmand vm2, vm0  }
0x117: {  	v3 =	vnsel vm2, $0xFF800000, v3  }
0x118: {  	v46 =	vperm.xlane v3, v0;
	_ =	sdelay $0x1  }
0x119: {  	v4 =	vmax.f32 v3, v46  }
0x11a: {  	v47 =	vperm.xlane v4, v1;
	_ =	sdelay $0x1  }
0x11b: {  	v4 =	vmax.f32 v4, v47  }
0x11c: {  	v48 =	vperm.xlane v12, v0;
	v49 =	vperm.xlane v4, v5;
	_ =	sdelay $0x1  }
0x11d: {  	v6 =	vadd.f32 v48, v12;
	v4 =	vmax.f32 v4, v49  }
0x11e: {  	v7 =	vperm.xlane v4, v8  }
0x11f: {  	v50 =	vperm.xlane v6, v1  }
0x120: {  	v4 =	vmax.f32 v4, v7  }
0x121: {  	v6 =	vadd.f32 v50, v6;
	vm2 =	veq.f32 v3, v4  }
0x122: {  	v3 =	vnsel vm2, $0xCEEE6B28, v11  }
0x123: {  	v51 =	vperm.xlane v6, v5;
	v52 =	vperm.xlane v3, v0;
	_ =	sdelay $0x1  }
0x124: {  	v4 =	vadd.f32 v51, v6;
	v3 =	vmax.f32 v3, v52  }
0x125: {  	v53 =	vperm.xlane v3, v1  }
0x126: {  	v54 =	vperm.xlane v4, v8  }
0x127: {  	v3 =	vmax.f32 v3, v53  }
0x128: {  	v2 =	vnsel vm2, $0xBF800000, v2;
	v4 =	vadd.f32 v54, v4;
	v6 =	vperm.xlane v3, v5  }
0x129: {  	v55 =	vperm.xlane v2, v0  }
0x12a: {  	v56 =	vmax.f32 v4, $1.000000000e+00;
	v3 =	vmax.f32 v3, v6  }
0x12b: {  	v2 =	vmax.f32 v2, v55;
	(erf) = vrcp.f32 v56;
	v6 =	vperm.xlane v3, v8  }
0x12c: {  	v7 =	vperm.xlane v2, v1  }
0x12d: {  	v3 =	vmax.f32 v3, v6  }
0x12e: {  	v2 =	vmax.f32 v2, v7;
	vm12 =	veq.f32 v11, v3  }
0x12f: {  	v57 =	vperm.xlane v2, v5;
	vm13 =	vmand vm12, vm0  }
0x130: {  	v58 =	vnsel vm13, $0xFF800000, v10  }
0x131: {  	v2 =	vmax.f32 v2, v57;
	v59 =	vperm.xlane v58, v0  }
0x132: {  	v6 =	vperm.xlane v2, v8  }
0x133: {  	v0 =	vmax.f32 v58, v59  }
0x134: {  	v2 =	vmax.f32 v2, v6;
	v60 =	vpop (erf);
	v61 =	vperm.xlane v0, v1  }
0x135: {  	v2 =	vmul.f32 v60, v2  }
0x136: {  	v0 =	vmax.f32 v0, v61  }
0x137: {  	vm15 =	vgt.f32 v4, $0.0e+00;
	vm14 =	vge.f32 v2, $0.0e+00;
	v1 =	vperm.xlane v0, v5  }
0x138: {  	vm0 =	vmand vm15, vm14  }
0x139: {  	v62 =	vnsel vm0, $0xBF800000, v3;
	v0 =	vmax.f32 v0, v1  }
0x13a: {  	v2 =	vnsel vm1, $0x0, v62;
	v1 =	vperm.xlane v0, v8  }
0x13b: {  	v2 =	vtrunc.f32 v2  }
0x13c: {  	v63 =	vcvt.f32.s32 v2;
	v0 =	vmax.f32 v0, v1  }
0x13d: {  	v0 =	vnsel vm0, $0x0, v0  }
0x13e: {  	[tilespmem:$0x200] =	vst v63;
	v0 =	vnsel vm1, $0x0, v0  }
0x13f: {  	[tilespmem:$0x180] =	vst v0  }
0x140: {  	[hbm4b:s14+s2] =	stream.linear.scatter [tilespmem:s11], [sflag:$0x2], $0x80, $0x38;
	[tilespmem:$0x280] =	vst v63  }
0x141: {  	_ =	swait.ge [sflag:s3], $0x80  }
0x142: {  	[sflag:s3] =	ssyncset.done $0x0  }
0x143: {  	[sflag:s3] =	ssyncadd.s32 $0xFFFFFF80  }
0x144: {  	[hbm4b:s13+s2] =	stream.linear.scatter [tilespmem:s12], [sflag:$0x2], $0x80, $0x38;
	[tilespmem:$0x280] =	vst v63  }
0x145: {  	_ =	swait.ge [sflag:s3], $0x80  }
0x146: {  	[sflag:s3] =	ssyncset.done $0x0  }
0x147: {  	[sflag:s3] =	ssyncadd.s32 $0xFFFFFF80  }
0x148: {  	_ =	sfence.sel $0x180000  }
0x149: {  	[bflag:$0x0] =	sbarrier.arrive $0xFFFF  }
0x14a: {  	p0 =	sne.s32 s1, $0x0;
	_ =	strace $0x90000047  }
0x14b: {  	s0 =	sadd.s32 @!p0 $0x100000, s0;
	[bflag:$0x2] =	sbarrier.arrive $0xFFFF  }
0x14c: {  	[sflag:s0] =	ssyncadd.tile.s32 @!p0 $0x1;
	_ =	shalt  }
.Lfunc_end2:
_tile_overlayer_lowered:
.L_overlay_start_2:
0x14d: {  	(tag) =	ssettag $0x2  }
0x14e: {  	s0 =	rddreg [dreg:$0x0];
	s2 =	stileid.u32  }
0x14f: {  	s1 =	rddreg [dreg:$0x1];
	p0 =	sne.s32 s2, $0x0  }
0x150: {  	s3 =	rddreg [dreg:$0x2];
	[bflag:$0x3] =	sbarrier.arrive $0xFFFF;
	s2 =	simm.s32 @!p0 $0x1C02  }
0x151: {  	[timem:s3], [sflag:s2] =	dma.local @!p0 [hbm:s0], s1  }
0x152: {  	s0 =	simm.s32 @!p0 $0x2  }
0x153: {  	_ =	swait.ge @!p0 [sflag:s0], s1  }
0x154: {  	s1 =	ssub.s32 @!p0 $0x0, s1;
	[sflag:s0] =	ssyncset.done @!p0 $0x0  }
0x155: {  	[sflag:s0] =	ssyncadd.s32 @!p0 s1  }
0x156: {  	[bflag:$0x3] =	sbarrier.arrive $0xFFFF  }
0x157: {  	_ =	shalt  }

</sc_bundles>
